<compile_context>
chip_gen: v7x
topology: tpu7x:2x2x1
jax: 0.10.2.dev20260603
libtpu: 0.0.44.dev20260713+nightly
codegen_flags: <defaults>
</compile_context>

<pallas_src>
import functools

import jax
import jax.numpy as jnp
from jax import lax
from jax.experimental import pallas as pl
from jax.experimental.pallas import tpu as pltpu
from jax.experimental.pallas import tpu_sc as plsc

N = 10000
E = 320000
F = 128
NC = 2
NS = 16
CHUNK = 80
SEGC = 10
EPT = E // NS
NCHUNK = EPT // CHUNK
NSEG = NCHUNK // SEGC
NZB = N // CHUNK

_mesh = plsc.VectorSubcoreMesh(core_axis_name="c", subcore_axis_name="s")


@functools.partial(
    pl.kernel,
    out_type=jax.ShapeDtypeStruct((NC, N, F), jnp.float32),
    mesh=_mesh,
    scratch_types=[
        pltpu.VMEM((SEGC, CHUNK), jnp.int32),
        pltpu.VMEM((SEGC, CHUNK), jnp.int32),
        pltpu.VMEM((CHUNK, F), jnp.float32),
        pltpu.VMEM((CHUNK, F), jnp.float32),
        pltpu.VMEM_SHARED((N, F), jnp.float32),
        pltpu.SemaphoreType.DMA,
        pltpu.SemaphoreType.DMA,
        pltpu.SemaphoreType.DMA,
        pltpu.SemaphoreType.DMA,
    ],
)
def _sc_aggregate(x_hbm, eidx_hbm, out_hbm, src_v, dst_v, rows0, rows1,
                  acc_sh, sem_g0, sem_g1, sem_s0, sem_s1):
    c = lax.axis_index("c")
    s = lax.axis_index("s")

    def zrow(i, carry):
        def zcol(k, carry2):
            rows0[i, pl.ds(k * 16, 16)] = jnp.zeros((16,), jnp.float32)
            return carry2
        return lax.fori_loop(0, F // 16, zcol, carry)
    lax.fori_loop(0, CHUNK, zrow, 0)
    for t in range((NZB + NS - 1) // NS):
        blk = s + NS * t

        @pl.when(blk < NZB)
        def _():
            pltpu.sync_copy(rows0, acc_sh.at[pl.ds(blk * CHUNK, CHUNK)])
    plsc.subcore_barrier()

    def seg_body(seg, carry):
        pltpu.sync_copy(eidx_hbm.at[c, 0, s, seg], src_v)
        pltpu.sync_copy(eidx_hbm.at[c, 1, s, seg], dst_v)
        pltpu.async_copy(x_hbm.at[src_v.at[0]], rows0, sem_g0)
        for p in range(SEGC // 2):
            j0 = 2 * p
            if p > 0:
                pltpu.make_async_copy(
                    rows1, acc_sh.at[dst_v.at[j0 - 1]], sem_s1).wait()
            pltpu.async_copy(x_hbm.at[src_v.at[j0 + 1]], rows1, sem_g1)
            pltpu.make_async_copy(x_hbm.at[src_v.at[j0]], rows0, sem_g0).wait()
            pltpu.async_copy(rows0, acc_sh.at[dst_v.at[j0]], sem_s0, add=True)
            pltpu.make_async_copy(x_hbm.at[src_v.at[j0 + 1]], rows1, sem_g1).wait()
            if p < SEGC // 2 - 1:
                pltpu.async_copy(rows1, acc_sh.at[dst_v.at[j0 + 1]], sem_s1,
                                 add=True)
                pltpu.make_async_copy(
                    rows0, acc_sh.at[dst_v.at[j0]], sem_s0).wait()
                pltpu.async_copy(x_hbm.at[src_v.at[j0 + 2]], rows0, sem_g0)
            else:
                pltpu.make_async_copy(
                    rows0, acc_sh.at[dst_v.at[j0]], sem_s0).wait()
                pltpu.sync_copy(rows1, acc_sh.at[dst_v.at[j0 + 1]], add=True)
        return carry

    lax.fori_loop(0, NSEG, seg_body, 0)
    plsc.subcore_barrier()

    for t in range((NZB + NS - 1) // NS):
        blk = s + NS * t

        @pl.when(blk < NZB)
        def _():
            pltpu.sync_copy(acc_sh.at[pl.ds(blk * CHUNK, CHUNK)],
                            out_hbm.at[c, pl.ds(blk * CHUNK, CHUNK)])


def _mm_body(x_ref, a0_ref, a1_ref, wt_ref, o_ref):
    o_ref[...] = (
        jnp.dot(x_ref[...], wt_ref[0:F, :], preferred_element_type=jnp.float32)
        + jnp.dot(a0_ref[...], wt_ref[F:2 * F, :], preferred_element_type=jnp.float32)
        + jnp.dot(a1_ref[...], wt_ref[2 * F:3 * F, :], preferred_element_type=jnp.float32)
    )


_MM_BLK = 400

_mm_call = pl.pallas_call(
    _mm_body,
    out_shape=jax.ShapeDtypeStruct((N, F), jnp.float32),
    grid=(N // _MM_BLK,),
    in_specs=[
        pl.BlockSpec((_MM_BLK, F), lambda i: (i, 0)),
        pl.BlockSpec((_MM_BLK, F), lambda i: (i, 0)),
        pl.BlockSpec((_MM_BLK, F), lambda i: (i, 0)),
        pl.BlockSpec((3 * F, F), lambda i: (0, 0)),
    ],
    out_specs=pl.BlockSpec((_MM_BLK, F), lambda i: (i, 0)),
)


@jax.jit
def kernel(X, W, edge_index_0, edge_index_1):
    eidx = jnp.stack([edge_index_0.astype(jnp.int32),
                      edge_index_1.astype(jnp.int32)])
    eidx = eidx.reshape(NC, 2, NS, NSEG, SEGC, CHUNK)
    agg = _sc_aggregate(X, eidx)
    return _mm_call(X, agg[0], agg[1], W.T)

# --- scband reference (transcript-rebuilt; emitter-appended) ---
"""Pipeline reference for scband-graph-conv-16621523435650 (READ-ONLY COPY).

The authoritative reference and input builder live on the scoring server;
editing this copy changes nothing except your own understanding.
"""

import jax, jax.numpy as jnp
import numpy as np
import math

N_NODES = 10000
N_EDGES = 320000
FIN = 128
FOUT = 128
D = 2

def setup_inputs(seed: int = 0) -> dict:
    key = jax.random.key(seed)
    k_x, k_e0, k_e1, k_w = jax.random.split(key, 4)
    X = jax.random.normal(k_x, (N_NODES, FIN), dtype=jnp.float32)
    edge_index_0 = jax.random.randint(k_e0, (2, N_EDGES), 0, N_NODES, dtype=jnp.int64)
    edge_index_1 = jax.random.randint(k_e1, (2, N_EDGES), 0, N_NODES, dtype=jnp.int64)
    stdv = 1.0 / math.sqrt(FIN * (D + 1))
    W = jax.random.uniform(k_w, (FOUT, FIN * (D + 1)), dtype=jnp.float32, minval=-stdv, maxval=stdv)
    return {"X": X, "W": W, "edge_index_0": edge_index_0, "edge_index_1": edge_index_1}

def reference(X, W, edge_index_0, edge_index_1):
    # GraphConv forward: X_out = [X] + [A_d @ X for each of D adjacencies], concat, linear.
    # Each sparse adjacency A_d is represented in COO as edge_index_d = [src; dst] with value 1.0.
    N = X.shape[0]
    outs = [X]
    for ei in (edge_index_0, edge_index_1):
        src = ei[0]
        dst = ei[1]
        msg = jnp.take(X, src, axis=0)                       # gather: [E, Fin]
        agg = jax.ops.segment_sum(msg, dst, num_segments=N)  # scatter-add: A @ X
        outs.append(agg)
    X_cat = jnp.concatenate(outs, axis=1)                    # [N, Fin*(D+1)]
    return X_cat @ W.T                                       # F.linear(X_cat, W)

if __name__ == "__main__":
    import jax
    _d = setup_inputs()
    print(jax.jit(kernel)(*tuple(_d.values())))

</pallas_src>

<mosaic_0001>
#map = affine_map<(d0, d1) -> (0, 0)>
#map1 = affine_map<(d0, d1) -> (0, 0, 0, 0, 0, 0)>
#map2 = affine_map<(d0, d1) -> (0, 0, 0)>
module attributes {stable_mosaic.version = 14 : i64} {
  func.func @_sc_aggregate(%arg0: i32, %arg1: i32, %arg2: memref<10000x128xf32, #tpu.memory_space<hbm>>, %arg3: memref<2x2x16x25x10x80xi32, #tpu.memory_space<hbm>>, %arg4: memref<2x10000x128xf32, #tpu.memory_space<hbm>>, %arg5: memref<10x80xi32, #tpu.memory_space<vmem>>, %arg6: memref<10x80xi32, #tpu.memory_space<vmem>>, %arg7: memref<80x128xf32, #tpu.memory_space<vmem>>, %arg8: memref<80x128xf32, #tpu.memory_space<vmem>>, %arg9: memref<10000x128xf32, #tpu.memory_space<vmem_shared>>, %arg10: memref<!tpu.dma_semaphore, #tpu.memory_space<semaphore_mem>>, %arg11: memref<!tpu.dma_semaphore, #tpu.memory_space<semaphore_mem>>, %arg12: memref<!tpu.dma_semaphore, #tpu.memory_space<semaphore_mem>>, %arg13: memref<!tpu.dma_semaphore, #tpu.memory_space<semaphore_mem>>) attributes {dimension_semantics = [#tpu.dimension_semantics<core_parallel>, #tpu.dimension_semantics<subcore_parallel>], iteration_bounds = array<i64: 2, 16>, scalar_prefetch = 0 : i64, scratch_operands = 9 : i64, tpu.core_type = #tpu.core_type<sc_vector_subcore>, window_params = [{transform_indices = #map}, {transform_indices = #map1}, {transform_indices = #map2}]} {
    %scan3A = arith.constant 0 : i32
    %scan3A_0 = arith.constant 0 : i32
    %scan3A_1 = arith.constant 80 : i32
    %scan3A_2 = arith.addi %scan3A_0, %scan3A_1 : i32
    %scan3A_3 = arith.constant 1 : i32
    scf.for %scan3A_120 = %scan3A_0 to %scan3A_2 step %scan3A_3  : i32 {
      %scan3A_121 = arith.constant 0 : i32
      %scan3A_122 = arith.constant 8 : i32
      %scan3A_123 = arith.addi %scan3A_121, %scan3A_122 : i32
      %scan3A_124 = arith.constant 1 : i32
      scf.for %scan3A_126 = %scan3A_121 to %scan3A_123 step %scan3A_124  : i32 {
        %broadcast_in_dim3A = arith.constant 0.000000e+00 : f32
        %broadcast_in_dim3A_127 = vector.broadcast %broadcast_in_dim3A : f32 to vector<16xf32>
        %mul3A = arith.constant 16 : i32
        %mul3A_128 = arith.muli %scan3A_126, %mul3A : i32
        %swap3A = arith.index_cast %scan3A_120 : i32 to index
        %swap3A_129 = arith.index_cast %mul3A_128 : i32 to index
        %swap3A_130 = tpu.vector_load %arg7[%swap3A, %swap3A_129] {strides = array<i32>} : memref<80x128xf32, #tpu.memory_space<vmem>>, vector<1x16xf32>,
        %swap3A_131 = vector.shape_cast %swap3A_130 : vector<1x16xf32> to vector<16xf32>
        %swap3A_132 = vector.shape_cast %broadcast_in_dim3A_127 : vector<16xf32> to vector<1x16xf32>
        tpu.vector_store %arg7[%swap3A, %swap3A_129], %swap3A_132 {strides = array<i32>} : memref<80x128xf32, #tpu.memory_space<vmem>>, vector<1x16xf32>,
      }
      %scan3A_125 = arith.constant 8 : i32
    }
    %scan3A_4 = arith.constant 80 : i32
    %add3A = arith.constant 0 : i32
    %add3A_5 = arith.addi %arg1, %add3A : i32
    %lt3A = arith.constant 125 : i32
    %lt3A_6 = arith.cmpi slt, %add3A_5, %lt3A : i32
    %convert_element_type3A = arith.extui %lt3A_6 : i1 to i32
    %cond3A = arith.constant 0 : i32
    %cond3A_7 = arith.cmpi ne, %convert_element_type3A, %cond3A : i32
    scf.if %cond3A_7 {
      %mul3A = arith.constant 80 : i32
      %mul3A_120 = arith.muli %add3A_5, %mul3A : i32
      "tpu.region"() ({
        %run_scoped3A = tpu.sem_alloc : memref<!tpu.dma_semaphore, #tpu.memory_space<semaphore_mem>>
        %dma_start3A = arith.constant 0 : i32
        %dma_start3A_121 = tpu.memref_slice %arg9[%mul3A_120, %dma_start3A] : memref<10000x128xf32, #tpu.memory_space<vmem_shared>> -> memref<80x128xf32, #tpu.memory_space<vmem_shared>>
        %dma_start3A_122 = arith.constant 0 : i32
        %dma_start3A_123 = tpu.memref_slice %arg9[%mul3A_120, %dma_start3A_122] : memref<10000x128xf32, #tpu.memory_space<vmem_shared>> -> memref<80x128xf32, #tpu.memory_space<vmem_shared>>
        tpu.enqueue_dma source(%arg7 : memref<80x128xf32, #tpu.memory_space<vmem>>) target(%dma_start3A_123 : memref<80x128xf32, #tpu.memory_space<vmem_shared>>) target_semaphore(%run_scoped3A : memref<!tpu.dma_semaphore, #tpu.memory_space<semaphore_mem>>)
        %dma_wait3A = arith.constant 0 : i32
        %dma_wait3A_124 = tpu.memref_slice %arg9[%mul3A_120, %dma_wait3A] : memref<10000x128xf32, #tpu.memory_space<vmem_shared>> -> memref<80x128xf32, #tpu.memory_space<vmem_shared>>
        %dma_wait3A_125 = arith.constant 0 : i32
        %dma_wait3A_126 = tpu.memref_slice %arg9[%mul3A_120, %dma_wait3A_125] : memref<10000x128xf32, #tpu.memory_space<vmem_shared>> -> memref<80x128xf32, #tpu.memory_space<vmem_shared>>
        tpu.wait_dma2 semaphore(%run_scoped3A : memref<!tpu.dma_semaphore, #tpu.memory_space<semaphore_mem>>) src(%arg7 : memref<80x128xf32, #tpu.memory_space<vmem>>) dst(%dma_wait3A_126 : memref<80x128xf32, #tpu.memory_space<vmem_shared>>)
        tpu.yield
      }) : () -> ()
    } else {
    }
    %add3A_8 = arith.constant 16 : i32
    %add3A_9 = arith.addi %arg1, %add3A_8 : i32
    %lt3A_10 = arith.constant 125 : i32
    %lt3A_11 = arith.cmpi slt, %add3A_9, %lt3A_10 : i32
    %convert_element_type3A_12 = arith.extui %lt3A_11 : i1 to i32
    %cond3A_13 = arith.constant 0 : i32
    %cond3A_14 = arith.cmpi ne, %convert_element_type3A_12, %cond3A_13 : i32
    scf.if %cond3A_14 {
      %mul3A = arith.constant 80 : i32
      %mul3A_120 = arith.muli %add3A_9, %mul3A : i32
      "tpu.region"() ({
        %run_scoped3A = tpu.sem_alloc : memref<!tpu.dma_semaphore, #tpu.memory_space<semaphore_mem>>
        %dma_start3A = arith.constant 0 : i32
        %dma_start3A_121 = tpu.memref_slice %arg9[%mul3A_120, %dma_start3A] : memref<10000x128xf32, #tpu.memory_space<vmem_shared>> -> memref<80x128xf32, #tpu.memory_space<vmem_shared>>
        %dma_start3A_122 = arith.constant 0 : i32
        %dma_start3A_123 = tpu.memref_slice %arg9[%mul3A_120, %dma_start3A_122] : memref<10000x128xf32, #tpu.memory_space<vmem_shared>> -> memref<80x128xf32, #tpu.memory_space<vmem_shared>>
        tpu.enqueue_dma source(%arg7 : memref<80x128xf32, #tpu.memory_space<vmem>>) target(%dma_start3A_123 : memref<80x128xf32, #tpu.memory_space<vmem_shared>>) target_semaphore(%run_scoped3A : memref<!tpu.dma_semaphore, #tpu.memory_space<semaphore_mem>>)
        %dma_wait3A = arith.constant 0 : i32
        %dma_wait3A_124 = tpu.memref_slice %arg9[%mul3A_120, %dma_wait3A] : memref<10000x128xf32, #tpu.memory_space<vmem_shared>> -> memref<80x128xf32, #tpu.memory_space<vmem_shared>>
        %dma_wait3A_125 = arith.constant 0 : i32
        %dma_wait3A_126 = tpu.memref_slice %arg9[%mul3A_120, %dma_wait3A_125] : memref<10000x128xf32, #tpu.memory_space<vmem_shared>> -> memref<80x128xf32, #tpu.memory_space<vmem_shared>>
        tpu.wait_dma2 semaphore(%run_scoped3A : memref<!tpu.dma_semaphore, #tpu.memory_space<semaphore_mem>>) src(%arg7 : memref<80x128xf32, #tpu.memory_space<vmem>>) dst(%dma_wait3A_126 : memref<80x128xf32, #tpu.memory_space<vmem_shared>>)
        tpu.yield
      }) : () -> ()
    } else {
    }
    %add3A_15 = arith.constant 32 : i32
    %add3A_16 = arith.addi %arg1, %add3A_15 : i32
    %lt3A_17 = arith.constant 125 : i32
    %lt3A_18 = arith.cmpi slt, %add3A_16, %lt3A_17 : i32
    %convert_element_type3A_19 = arith.extui %lt3A_18 : i1 to i32
    %cond3A_20 = arith.constant 0 : i32
    %cond3A_21 = arith.cmpi ne, %convert_element_type3A_19, %cond3A_20 : i32
    scf.if %cond3A_21 {
      %mul3A = arith.constant 80 : i32
      %mul3A_120 = arith.muli %add3A_16, %mul3A : i32
      "tpu.region"() ({
        %run_scoped3A = tpu.sem_alloc : memref<!tpu.dma_semaphore, #tpu.memory_space<semaphore_mem>>
        %dma_start3A = arith.constant 0 : i32
        %dma_start3A_121 = tpu.memref_slice %arg9[%mul3A_120, %dma_start3A] : memref<10000x128xf32, #tpu.memory_space<vmem_shared>> -> memref<80x128xf32, #tpu.memory_space<vmem_shared>>
        %dma_start3A_122 = arith.constant 0 : i32
        %dma_start3A_123 = tpu.memref_slice %arg9[%mul3A_120, %dma_start3A_122] : memref<10000x128xf32, #tpu.memory_space<vmem_shared>> -> memref<80x128xf32, #tpu.memory_space<vmem_shared>>
        tpu.enqueue_dma source(%arg7 : memref<80x128xf32, #tpu.memory_space<vmem>>) target(%dma_start3A_123 : memref<80x128xf32, #tpu.memory_space<vmem_shared>>) target_semaphore(%run_scoped3A : memref<!tpu.dma_semaphore, #tpu.memory_space<semaphore_mem>>)
        %dma_wait3A = arith.constant 0 : i32
        %dma_wait3A_124 = tpu.memref_slice %arg9[%mul3A_120, %dma_wait3A] : memref<10000x128xf32, #tpu.memory_space<vmem_shared>> -> memref<80x128xf32, #tpu.memory_space<vmem_shared>>
        %dma_wait3A_125 = arith.constant 0 : i32
        %dma_wait3A_126 = tpu.memref_slice %arg9[%mul3A_120, %dma_wait3A_125] : memref<10000x128xf32, #tpu.memory_space<vmem_shared>> -> memref<80x128xf32, #tpu.memory_space<vmem_shared>>
        tpu.wait_dma2 semaphore(%run_scoped3A : memref<!tpu.dma_semaphore, #tpu.memory_space<semaphore_mem>>) src(%arg7 : memref<80x128xf32, #tpu.memory_space<vmem>>) dst(%dma_wait3A_126 : memref<80x128xf32, #tpu.memory_space<vmem_shared>>)
        tpu.yield
      }) : () -> ()
    } else {
    }
    %add3A_22 = arith.constant 48 : i32
    %add3A_23 = arith.addi %arg1, %add3A_22 : i32
    %lt3A_24 = arith.constant 125 : i32
    %lt3A_25 = arith.cmpi slt, %add3A_23, %lt3A_24 : i32
    %convert_element_type3A_26 = arith.extui %lt3A_25 : i1 to i32
    %cond3A_27 = arith.constant 0 : i32
    %cond3A_28 = arith.cmpi ne, %convert_element_type3A_26, %cond3A_27 : i32
    scf.if %cond3A_28 {
      %mul3A = arith.constant 80 : i32
      %mul3A_120 = arith.muli %add3A_23, %mul3A : i32
      "tpu.region"() ({
        %run_scoped3A = tpu.sem_alloc : memref<!tpu.dma_semaphore, #tpu.memory_space<semaphore_mem>>
        %dma_start3A = arith.constant 0 : i32
        %dma_start3A_121 = tpu.memref_slice %arg9[%mul3A_120, %dma_start3A] : memref<10000x128xf32, #tpu.memory_space<vmem_shared>> -> memref<80x128xf32, #tpu.memory_space<vmem_shared>>
        %dma_start3A_122 = arith.constant 0 : i32
        %dma_start3A_123 = tpu.memref_slice %arg9[%mul3A_120, %dma_start3A_122] : memref<10000x128xf32, #tpu.memory_space<vmem_shared>> -> memref<80x128xf32, #tpu.memory_space<vmem_shared>>
        tpu.enqueue_dma source(%arg7 : memref<80x128xf32, #tpu.memory_space<vmem>>) target(%dma_start3A_123 : memref<80x128xf32, #tpu.memory_space<vmem_shared>>) target_semaphore(%run_scoped3A : memref<!tpu.dma_semaphore, #tpu.memory_space<semaphore_mem>>)
        %dma_wait3A = arith.constant 0 : i32
        %dma_wait3A_124 = tpu.memref_slice %arg9[%mul3A_120, %dma_wait3A] : memref<10000x128xf32, #tpu.memory_space<vmem_shared>> -> memref<80x128xf32, #tpu.memory_space<vmem_shared>>
        %dma_wait3A_125 = arith.constant 0 : i32
        %dma_wait3A_126 = tpu.memref_slice %arg9[%mul3A_120, %dma_wait3A_125] : memref<10000x128xf32, #tpu.memory_space<vmem_shared>> -> memref<80x128xf32, #tpu.memory_space<vmem_shared>>
        tpu.wait_dma2 semaphore(%run_scoped3A : memref<!tpu.dma_semaphore, #tpu.memory_space<semaphore_mem>>) src(%arg7 : memref<80x128xf32, #tpu.memory_space<vmem>>) dst(%dma_wait3A_126 : memref<80x128xf32, #tpu.memory_space<vmem_shared>>)
        tpu.yield
      }) : () -> ()
    } else {
    }
    %add3A_29 = arith.constant 64 : i32
    %add3A_30 = arith.addi %arg1, %add3A_29 : i32
    %lt3A_31 = arith.constant 125 : i32
    %lt3A_32 = arith.cmpi slt, %add3A_30, %lt3A_31 : i32
    %convert_element_type3A_33 = arith.extui %lt3A_32 : i1 to i32
    %cond3A_34 = arith.constant 0 : i32
    %cond3A_35 = arith.cmpi ne, %convert_element_type3A_33, %cond3A_34 : i32
    scf.if %cond3A_35 {
      %mul3A = arith.constant 80 : i32
      %mul3A_120 = arith.muli %add3A_30, %mul3A : i32
      "tpu.region"() ({
        %run_scoped3A = tpu.sem_alloc : memref<!tpu.dma_semaphore, #tpu.memory_space<semaphore_mem>>
        %dma_start3A = arith.constant 0 : i32
        %dma_start3A_121 = tpu.memref_slice %arg9[%mul3A_120, %dma_start3A] : memref<10000x128xf32, #tpu.memory_space<vmem_shared>> -> memref<80x128xf32, #tpu.memory_space<vmem_shared>>
        %dma_start3A_122 = arith.constant 0 : i32
        %dma_start3A_123 = tpu.memref_slice %arg9[%mul3A_120, %dma_start3A_122] : memref<10000x128xf32, #tpu.memory_space<vmem_shared>> -> memref<80x128xf32, #tpu.memory_space<vmem_shared>>
        tpu.enqueue_dma source(%arg7 : memref<80x128xf32, #tpu.memory_space<vmem>>) target(%dma_start3A_123 : memref<80x128xf32, #tpu.memory_space<vmem_shared>>) target_semaphore(%run_scoped3A : memref<!tpu.dma_semaphore, #tpu.memory_space<semaphore_mem>>)
        %dma_wait3A = arith.constant 0 : i32
        %dma_wait3A_124 = tpu.memref_slice %arg9[%mul3A_120, %dma_wait3A] : memref<10000x128xf32, #tpu.memory_space<vmem_shared>> -> memref<80x128xf32, #tpu.memory_space<vmem_shared>>
        %dma_wait3A_125 = arith.constant 0 : i32
        %dma_wait3A_126 = tpu.memref_slice %arg9[%mul3A_120, %dma_wait3A_125] : memref<10000x128xf32, #tpu.memory_space<vmem_shared>> -> memref<80x128xf32, #tpu.memory_space<vmem_shared>>
        tpu.wait_dma2 semaphore(%run_scoped3A : memref<!tpu.dma_semaphore, #tpu.memory_space<semaphore_mem>>) src(%arg7 : memref<80x128xf32, #tpu.memory_space<vmem>>) dst(%dma_wait3A_126 : memref<80x128xf32, #tpu.memory_space<vmem_shared>>)
        tpu.yield
      }) : () -> ()
    } else {
    }
    %add3A_36 = arith.constant 80 : i32
    %add3A_37 = arith.addi %arg1, %add3A_36 : i32
    %lt3A_38 = arith.constant 125 : i32
    %lt3A_39 = arith.cmpi slt, %add3A_37, %lt3A_38 : i32
    %convert_element_type3A_40 = arith.extui %lt3A_39 : i1 to i32
    %cond3A_41 = arith.constant 0 : i32
    %cond3A_42 = arith.cmpi ne, %convert_element_type3A_40, %cond3A_41 : i32
    scf.if %cond3A_42 {
      %mul3A = arith.constant 80 : i32
      %mul3A_120 = arith.muli %add3A_37, %mul3A : i32
      "tpu.region"() ({
        %run_scoped3A = tpu.sem_alloc : memref<!tpu.dma_semaphore, #tpu.memory_space<semaphore_mem>>
        %dma_start3A = arith.constant 0 : i32
        %dma_start3A_121 = tpu.memref_slice %arg9[%mul3A_120, %dma_start3A] : memref<10000x128xf32, #tpu.memory_space<vmem_shared>> -> memref<80x128xf32, #tpu.memory_space<vmem_shared>>
        %dma_start3A_122 = arith.constant 0 : i32
        %dma_start3A_123 = tpu.memref_slice %arg9[%mul3A_120, %dma_start3A_122] : memref<10000x128xf32, #tpu.memory_space<vmem_shared>> -> memref<80x128xf32, #tpu.memory_space<vmem_shared>>
        tpu.enqueue_dma source(%arg7 : memref<80x128xf32, #tpu.memory_space<vmem>>) target(%dma_start3A_123 : memref<80x128xf32, #tpu.memory_space<vmem_shared>>) target_semaphore(%run_scoped3A : memref<!tpu.dma_semaphore, #tpu.memory_space<semaphore_mem>>)
        %dma_wait3A = arith.constant 0 : i32
        %dma_wait3A_124 = tpu.memref_slice %arg9[%mul3A_120, %dma_wait3A] : memref<10000x128xf32, #tpu.memory_space<vmem_shared>> -> memref<80x128xf32, #tpu.memory_space<vmem_shared>>
        %dma_wait3A_125 = arith.constant 0 : i32
        %dma_wait3A_126 = tpu.memref_slice %arg9[%mul3A_120, %dma_wait3A_125] : memref<10000x128xf32, #tpu.memory_space<vmem_shared>> -> memref<80x128xf32, #tpu.memory_space<vmem_shared>>
        tpu.wait_dma2 semaphore(%run_scoped3A : memref<!tpu.dma_semaphore, #tpu.memory_space<semaphore_mem>>) src(%arg7 : memref<80x128xf32, #tpu.memory_space<vmem>>) dst(%dma_wait3A_126 : memref<80x128xf32, #tpu.memory_space<vmem_shared>>)
        tpu.yield
      }) : () -> ()
    } else {
    }
    %add3A_43 = arith.constant 96 : i32
    %add3A_44 = arith.addi %arg1, %add3A_43 : i32
    %lt3A_45 = arith.constant 125 : i32
    %lt3A_46 = arith.cmpi slt, %add3A_44, %lt3A_45 : i32
    %convert_element_type3A_47 = arith.extui %lt3A_46 : i1 to i32
    %cond3A_48 = arith.constant 0 : i32
    %cond3A_49 = arith.cmpi ne, %convert_element_type3A_47, %cond3A_48 : i32
    scf.if %cond3A_49 {
      %mul3A = arith.constant 80 : i32
      %mul3A_120 = arith.muli %add3A_44, %mul3A : i32
      "tpu.region"() ({
        %run_scoped3A = tpu.sem_alloc : memref<!tpu.dma_semaphore, #tpu.memory_space<semaphore_mem>>
        %dma_start3A = arith.constant 0 : i32
        %dma_start3A_121 = tpu.memref_slice %arg9[%mul3A_120, %dma_start3A] : memref<10000x128xf32, #tpu.memory_space<vmem_shared>> -> memref<80x128xf32, #tpu.memory_space<vmem_shared>>
        %dma_start3A_122 = arith.constant 0 : i32
        %dma_start3A_123 = tpu.memref_slice %arg9[%mul3A_120, %dma_start3A_122] : memref<10000x128xf32, #tpu.memory_space<vmem_shared>> -> memref<80x128xf32, #tpu.memory_space<vmem_shared>>
        tpu.enqueue_dma source(%arg7 : memref<80x128xf32, #tpu.memory_space<vmem>>) target(%dma_start3A_123 : memref<80x128xf32, #tpu.memory_space<vmem_shared>>) target_semaphore(%run_scoped3A : memref<!tpu.dma_semaphore, #tpu.memory_space<semaphore_mem>>)
        %dma_wait3A = arith.constant 0 : i32
        %dma_wait3A_124 = tpu.memref_slice %arg9[%mul3A_120, %dma_wait3A] : memref<10000x128xf32, #tpu.memory_space<vmem_shared>> -> memref<80x128xf32, #tpu.memory_space<vmem_shared>>
        %dma_wait3A_125 = arith.constant 0 : i32
        %dma_wait3A_126 = tpu.memref_slice %arg9[%mul3A_120, %dma_wait3A_125] : memref<10000x128xf32, #tpu.memory_space<vmem_shared>> -> memref<80x128xf32, #tpu.memory_space<vmem_shared>>
        tpu.wait_dma2 semaphore(%run_scoped3A : memref<!tpu.dma_semaphore, #tpu.memory_space<semaphore_mem>>) src(%arg7 : memref<80x128xf32, #tpu.memory_space<vmem>>) dst(%dma_wait3A_126 : memref<80x128xf32, #tpu.memory_space<vmem_shared>>)
        tpu.yield
      }) : () -> ()
    } else {
    }
    %add3A_50 = arith.constant 112 : i32
    %add3A_51 = arith.addi %arg1, %add3A_50 : i32
    %lt3A_52 = arith.constant 125 : i32
    %lt3A_53 = arith.cmpi slt, %add3A_51, %lt3A_52 : i32
    %convert_element_type3A_54 = arith.extui %lt3A_53 : i1 to i32
    %cond3A_55 = arith.constant 0 : i32
    %cond3A_56 = arith.cmpi ne, %convert_element_type3A_54, %cond3A_55 : i32
    scf.if %cond3A_56 {
      %mul3A = arith.constant 80 : i32
      %mul3A_120 = arith.muli %add3A_51, %mul3A : i32
      "tpu.region"() ({
        %run_scoped3A = tpu.sem_alloc : memref<!tpu.dma_semaphore, #tpu.memory_space<semaphore_mem>>
        %dma_start3A = arith.constant 0 : i32
        %dma_start3A_121 = tpu.memref_slice %arg9[%mul3A_120, %dma_start3A] : memref<10000x128xf32, #tpu.memory_space<vmem_shared>> -> memref<80x128xf32, #tpu.memory_space<vmem_shared>>
        %dma_start3A_122 = arith.constant 0 : i32
        %dma_start3A_123 = tpu.memref_slice %arg9[%mul3A_120, %dma_start3A_122] : memref<10000x128xf32, #tpu.memory_space<vmem_shared>> -> memref<80x128xf32, #tpu.memory_space<vmem_shared>>
        tpu.enqueue_dma source(%arg7 : memref<80x128xf32, #tpu.memory_space<vmem>>) target(%dma_start3A_123 : memref<80x128xf32, #tpu.memory_space<vmem_shared>>) target_semaphore(%run_scoped3A : memref<!tpu.dma_semaphore, #tpu.memory_space<semaphore_mem>>)
        %dma_wait3A = arith.constant 0 : i32
        %dma_wait3A_124 = tpu.memref_slice %arg9[%mul3A_120, %dma_wait3A] : memref<10000x128xf32, #tpu.memory_space<vmem_shared>> -> memref<80x128xf32, #tpu.memory_space<vmem_shared>>
        %dma_wait3A_125 = arith.constant 0 : i32
        %dma_wait3A_126 = tpu.memref_slice %arg9[%mul3A_120, %dma_wait3A_125] : memref<10000x128xf32, #tpu.memory_space<vmem_shared>> -> memref<80x128xf32, #tpu.memory_space<vmem_shared>>
        tpu.wait_dma2 semaphore(%run_scoped3A : memref<!tpu.dma_semaphore, #tpu.memory_space<semaphore_mem>>) src(%arg7 : memref<80x128xf32, #tpu.memory_space<vmem>>) dst(%dma_wait3A_126 : memref<80x128xf32, #tpu.memory_space<vmem_shared>>)
        tpu.yield
      }) : () -> ()
    } else {
    }
    %barrier3A = arith.constant 0 : index
    tpu.barrier barrier_id(%barrier3A)
    %scan3A_57 = arith.constant 0 : i32
    %scan3A_58 = arith.constant 0 : i32
    %scan3A_59 = arith.constant 25 : i32
    %scan3A_60 = arith.addi %scan3A_58, %scan3A_59 : i32
    %scan3A_61 = arith.constant 1 : i32
    scf.for %scan3A_120 = %scan3A_58 to %scan3A_60 step %scan3A_61  : i32 {
      %run_scoped3A = arith.constant 0 : i32
      "tpu.region"() ({
        %run_scoped3A_387 = tpu.sem_alloc : memref<!tpu.dma_semaphore, #tpu.memory_space<semaphore_mem>>
        %dma_start3A_388 = arith.constant 0 : i32
        %dma_start3A_389 = arith.constant 0 : i32
        %dma_start3A_390 = tpu.memref_slice %arg3[%arg0, %run_scoped3A, %arg1, %scan3A_120, %dma_start3A_388, %dma_start3A_389] : memref<2x2x16x25x10x80xi32, #tpu.memory_space<hbm>> -> memref<1x1x1x1x10x80xi32, #tpu.memory_space<hbm>>
        %dma_start3A_391 = tpu.memref_squeeze %dma_start3A_390 : memref<1x1x1x1x10x80xi32, #tpu.memory_space<hbm>> -> memref<10x80xi32, #tpu.memory_space<hbm>>
        %dma_start3A_392 = arith.constant 0 : i32
        %dma_start3A_393 = arith.constant 0 : i32
        %dma_start3A_394 = tpu.memref_slice %arg3[%arg0, %run_scoped3A, %arg1, %scan3A_120, %dma_start3A_392, %dma_start3A_393] : memref<2x2x16x25x10x80xi32, #tpu.memory_space<hbm>> -> memref<1x1x1x1x10x80xi32, #tpu.memory_space<hbm>>
        %dma_start3A_395 = tpu.memref_squeeze %dma_start3A_394 : memref<1x1x1x1x10x80xi32, #tpu.memory_space<hbm>> -> memref<10x80xi32, #tpu.memory_space<hbm>>
        tpu.enqueue_dma source(%dma_start3A_395 : memref<10x80xi32, #tpu.memory_space<hbm>>) target(%arg5 : memref<10x80xi32, #tpu.memory_space<vmem>>) target_semaphore(%run_scoped3A_387 : memref<!tpu.dma_semaphore, #tpu.memory_space<semaphore_mem>>)
        %dma_wait3A_396 = arith.constant 0 : i32
        %dma_wait3A_397 = arith.constant 0 : i32
        %dma_wait3A_398 = tpu.memref_slice %arg3[%arg0, %run_scoped3A, %arg1, %scan3A_120, %dma_wait3A_396, %dma_wait3A_397] : memref<2x2x16x25x10x80xi32, #tpu.memory_space<hbm>> -> memref<1x1x1x1x10x80xi32, #tpu.memory_space<hbm>>
        %dma_wait3A_399 = tpu.memref_squeeze %dma_wait3A_398 : memref<1x1x1x1x10x80xi32, #tpu.memory_space<hbm>> -> memref<10x80xi32, #tpu.memory_space<hbm>>
        %dma_wait3A_400 = arith.constant 0 : i32
        %dma_wait3A_401 = arith.constant 0 : i32
        %dma_wait3A_402 = tpu.memref_slice %arg3[%arg0, %run_scoped3A, %arg1, %scan3A_120, %dma_wait3A_400, %dma_wait3A_401] : memref<2x2x16x25x10x80xi32, #tpu.memory_space<hbm>> -> memref<1x1x1x1x10x80xi32, #tpu.memory_space<hbm>>
        %dma_wait3A_403 = tpu.memref_squeeze %dma_wait3A_402 : memref<1x1x1x1x10x80xi32, #tpu.memory_space<hbm>> -> memref<10x80xi32, #tpu.memory_space<hbm>>
        tpu.wait_dma2 semaphore(%run_scoped3A_387 : memref<!tpu.dma_semaphore, #tpu.memory_space<semaphore_mem>>) src(%dma_wait3A_403 : memref<10x80xi32, #tpu.memory_space<hbm>>) dst(%arg5 : memref<10x80xi32, #tpu.memory_space<vmem>>)
        tpu.yield
      }) : () -> ()
      %run_scoped3A_121 = arith.constant 1 : i32
      "tpu.region"() ({
        %run_scoped3A_387 = tpu.sem_alloc : memref<!tpu.dma_semaphore, #tpu.memory_space<semaphore_mem>>
        %dma_start3A_388 = arith.constant 0 : i32
        %dma_start3A_389 = arith.constant 0 : i32
        %dma_start3A_390 = tpu.memref_slice %arg3[%arg0, %run_scoped3A_121, %arg1, %scan3A_120, %dma_start3A_388, %dma_start3A_389] : memref<2x2x16x25x10x80xi32, #tpu.memory_space<hbm>> -> memref<1x1x1x1x10x80xi32, #tpu.memory_space<hbm>>
        %dma_start3A_391 = tpu.memref_squeeze %dma_start3A_390 : memref<1x1x1x1x10x80xi32, #tpu.memory_space<hbm>> -> memref<10x80xi32, #tpu.memory_space<hbm>>
        %dma_start3A_392 = arith.constant 0 : i32
        %dma_start3A_393 = arith.constant 0 : i32
        %dma_start3A_394 = tpu.memref_slice %arg3[%arg0, %run_scoped3A_121, %arg1, %scan3A_120, %dma_start3A_392, %dma_start3A_393] : memref<2x2x16x25x10x80xi32, #tpu.memory_space<hbm>> -> memref<1x1x1x1x10x80xi32, #tpu.memory_space<hbm>>
        %dma_start3A_395 = tpu.memref_squeeze %dma_start3A_394 : memref<1x1x1x1x10x80xi32, #tpu.memory_space<hbm>> -> memref<10x80xi32, #tpu.memory_space<hbm>>
        tpu.enqueue_dma source(%dma_start3A_395 : memref<10x80xi32, #tpu.memory_space<hbm>>) target(%arg6 : memref<10x80xi32, #tpu.memory_space<vmem>>) target_semaphore(%run_scoped3A_387 : memref<!tpu.dma_semaphore, #tpu.memory_space<semaphore_mem>>)
        %dma_wait3A_396 = arith.constant 0 : i32
        %dma_wait3A_397 = arith.constant 0 : i32
        %dma_wait3A_398 = tpu.memref_slice %arg3[%arg0, %run_scoped3A_121, %arg1, %scan3A_120, %dma_wait3A_396, %dma_wait3A_397] : memref<2x2x16x25x10x80xi32, #tpu.memory_space<hbm>> -> memref<1x1x1x1x10x80xi32, #tpu.memory_space<hbm>>
        %dma_wait3A_399 = tpu.memref_squeeze %dma_wait3A_398 : memref<1x1x1x1x10x80xi32, #tpu.memory_space<hbm>> -> memref<10x80xi32, #tpu.memory_space<hbm>>
        %dma_wait3A_400 = arith.constant 0 : i32
        %dma_wait3A_401 = arith.constant 0 : i32
        %dma_wait3A_402 = tpu.memref_slice %arg3[%arg0, %run_scoped3A_121, %arg1, %scan3A_120, %dma_wait3A_400, %dma_wait3A_401] : memref<2x2x16x25x10x80xi32, #tpu.memory_space<hbm>> -> memref<1x1x1x1x10x80xi32, #tpu.memory_space<hbm>>
        %dma_wait3A_403 = tpu.memref_squeeze %dma_wait3A_402 : memref<1x1x1x1x10x80xi32, #tpu.memory_space<hbm>> -> memref<10x80xi32, #tpu.memory_space<hbm>>
        tpu.wait_dma2 semaphore(%run_scoped3A_387 : memref<!tpu.dma_semaphore, #tpu.memory_space<semaphore_mem>>) src(%dma_wait3A_403 : memref<10x80xi32, #tpu.memory_space<hbm>>) dst(%arg6 : memref<10x80xi32, #tpu.memory_space<vmem>>)
        tpu.yield
      }) : () -> ()
      %dma_start3A = arith.constant 0 : i32
      %dma_start3A_122 = arith.constant 0 : i32
      %dma_start3A_123 = tpu.memref_slice %arg5[%dma_start3A, %dma_start3A_122] : memref<10x80xi32, #tpu.memory_space<vmem>> -> memref<1x80xi32, #tpu.memory_space<vmem>>
      %dma_start3A_124 = tpu.memref_squeeze %dma_start3A_123 : memref<1x80xi32, #tpu.memory_space<vmem>> -> memref<80xi32, #tpu.memory_space<vmem>>
      %dma_start3A_125 = arith.constant 0 : i32
      %dma_start3A_126 = arith.constant 0 : i32
      %dma_start3A_127 = tpu.memref_slice %arg2[%dma_start3A_125, %dma_start3A_126] : memref<10000x128xf32, #tpu.memory_space<hbm>> -> memref<10000x128xf32, #tpu.memory_space<hbm>>
      tpu.enqueue_indirect_dma source(%dma_start3A_127 : memref<10000x128xf32, #tpu.memory_space<hbm>>) target(%arg7 : memref<80x128xf32, #tpu.memory_space<vmem>>) offsets(%dma_start3A_124 : memref<80xi32, #tpu.memory_space<vmem>>) semaphore(%arg10 : memref<!tpu.dma_semaphore, #tpu.memory_space<semaphore_mem>>)
      %dma_start3A_128 = arith.constant 1 : i32
      %dma_start3A_129 = arith.constant 0 : i32
      %dma_start3A_130 = tpu.memref_slice %arg5[%dma_start3A_128, %dma_start3A_129] : memref<10x80xi32, #tpu.memory_space<vmem>> -> memref<1x80xi32, #tpu.memory_space<vmem>>
      %dma_start3A_131 = tpu.memref_squeeze %dma_start3A_130 : memref<1x80xi32, #tpu.memory_space<vmem>> -> memref<80xi32, #tpu.memory_space<vmem>>
      %dma_start3A_132 = arith.constant 0 : i32
      %dma_start3A_133 = arith.constant 0 : i32
      %dma_start3A_134 = tpu.memref_slice %arg2[%dma_start3A_132, %dma_start3A_133] : memref<10000x128xf32, #tpu.memory_space<hbm>> -> memref<10000x128xf32, #tpu.memory_space<hbm>>
      tpu.enqueue_indirect_dma source(%dma_start3A_134 : memref<10000x128xf32, #tpu.memory_space<hbm>>) target(%arg8 : memref<80x128xf32, #tpu.memory_space<vmem>>) offsets(%dma_start3A_131 : memref<80xi32, #tpu.memory_space<vmem>>) semaphore(%arg11 : memref<!tpu.dma_semaphore, #tpu.memory_space<semaphore_mem>>)
      %dma_wait3A = arith.constant 0 : i32
      %dma_wait3A_135 = arith.constant 0 : i32
      %dma_wait3A_136 = tpu.memref_slice %arg5[%dma_wait3A, %dma_wait3A_135] : memref<10x80xi32, #tpu.memory_space<vmem>> -> memref<1x80xi32, #tpu.memory_space<vmem>>
      %dma_wait3A_137 = tpu.memref_squeeze %dma_wait3A_136 : memref<1x80xi32, #tpu.memory_space<vmem>> -> memref<80xi32, #tpu.memory_space<vmem>>
      %dma_wait3A_138 = arith.constant 0 : i32
      %dma_wait3A_139 = arith.constant 0 : i32
      %dma_wait3A_140 = tpu.memref_slice %arg2[%dma_wait3A_138, %dma_wait3A_139] : memref<10000x128xf32, #tpu.memory_space<hbm>> -> memref<10000x128xf32, #tpu.memory_space<hbm>>
      tpu.wait_indirect_dma semaphore(%arg10 : memref<!tpu.dma_semaphore, #tpu.memory_space<semaphore_mem>>) src(%dma_wait3A_140 : memref<10000x128xf32, #tpu.memory_space<hbm>>) dst(%arg7 : memref<80x128xf32, #tpu.memory_space<vmem>>)
      %dma_start3A_141 = arith.constant 0 : i32
      %dma_start3A_142 = arith.constant 0 : i32
      %dma_start3A_143 = tpu.memref_slice %arg6[%dma_start3A_141, %dma_start3A_142] : memref<10x80xi32, #tpu.memory_space<vmem>> -> memref<1x80xi32, #tpu.memory_space<vmem>>
      %dma_start3A_144 = tpu.memref_squeeze %dma_start3A_143 : memref<1x80xi32, #tpu.memory_space<vmem>> -> memref<80xi32, #tpu.memory_space<vmem>>
      %dma_start3A_145 = arith.constant 0 : i32
      %dma_start3A_146 = arith.constant 0 : i32
      %dma_start3A_147 = tpu.memref_slice %arg9[%dma_start3A_145, %dma_start3A_146] : memref<10000x128xf32, #tpu.memory_space<vmem_shared>> -> memref<10000x128xf32, #tpu.memory_space<vmem_shared>>
      tpu.enqueue_indirect_dma source(%arg7 : memref<80x128xf32, #tpu.memory_space<vmem>>) target(%dma_start3A_147 : memref<10000x128xf32, #tpu.memory_space<vmem_shared>>) offsets(%dma_start3A_144 : memref<80xi32, #tpu.memory_space<vmem>>) semaphore(%arg12 : memref<!tpu.dma_semaphore, #tpu.memory_space<semaphore_mem>>) {add = true}
      %dma_wait3A_148 = arith.constant 1 : i32
      %dma_wait3A_149 = arith.constant 0 : i32
      %dma_wait3A_150 = tpu.memref_slice %arg5[%dma_wait3A_148, %dma_wait3A_149] : memref<10x80xi32, #tpu.memory_space<vmem>> -> memref<1x80xi32, #tpu.memory_space<vmem>>
      %dma_wait3A_151 = tpu.memref_squeeze %dma_wait3A_150 : memref<1x80xi32, #tpu.memory_space<vmem>> -> memref<80xi32, #tpu.memory_space<vmem>>
      %dma_wait3A_152 = arith.constant 0 : i32
      %dma_wait3A_153 = arith.constant 0 : i32
      %dma_wait3A_154 = tpu.memref_slice %arg2[%dma_wait3A_152, %dma_wait3A_153] : memref<10000x128xf32, #tpu.memory_space<hbm>> -> memref<10000x128xf32, #tpu.memory_space<hbm>>
      tpu.wait_indirect_dma semaphore(%arg11 : memref<!tpu.dma_semaphore, #tpu.memory_space<semaphore_mem>>) src(%dma_wait3A_154 : memref<10000x128xf32, #tpu.memory_space<hbm>>) dst(%arg8 : memref<80x128xf32, #tpu.memory_space<vmem>>)
      %dma_start3A_155 = arith.constant 1 : i32
      %dma_start3A_156 = arith.constant 0 : i32
      %dma_start3A_157 = tpu.memref_slice %arg6[%dma_start3A_155, %dma_start3A_156] : memref<10x80xi32, #tpu.memory_space<vmem>> -> memref<1x80xi32, #tpu.memory_space<vmem>>
      %dma_start3A_158 = tpu.memref_squeeze %dma_start3A_157 : memref<1x80xi32, #tpu.memory_space<vmem>> -> memref<80xi32, #tpu.memory_space<vmem>>
      %dma_start3A_159 = arith.constant 0 : i32
      %dma_start3A_160 = arith.constant 0 : i32
      %dma_start3A_161 = tpu.memref_slice %arg9[%dma_start3A_159, %dma_start3A_160] : memref<10000x128xf32, #tpu.memory_space<vmem_shared>> -> memref<10000x128xf32, #tpu.memory_space<vmem_shared>>
      tpu.enqueue_indirect_dma source(%arg8 : memref<80x128xf32, #tpu.memory_space<vmem>>) target(%dma_start3A_161 : memref<10000x128xf32, #tpu.memory_space<vmem_shared>>) offsets(%dma_start3A_158 : memref<80xi32, #tpu.memory_space<vmem>>) semaphore(%arg13 : memref<!tpu.dma_semaphore, #tpu.memory_space<semaphore_mem>>) {add = true}
      %dma_wait3A_162 = arith.constant 0 : i32
      %dma_wait3A_163 = arith.constant 0 : i32
      %dma_wait3A_164 = tpu.memref_slice %arg6[%dma_wait3A_162, %dma_wait3A_163] : memref<10x80xi32, #tpu.memory_space<vmem>> -> memref<1x80xi32, #tpu.memory_space<vmem>>
      %dma_wait3A_165 = tpu.memref_squeeze %dma_wait3A_164 : memref<1x80xi32, #tpu.memory_space<vmem>> -> memref<80xi32, #tpu.memory_space<vmem>>
      %dma_wait3A_166 = arith.constant 0 : i32
      %dma_wait3A_167 = arith.constant 0 : i32
      %dma_wait3A_168 = tpu.memref_slice %arg9[%dma_wait3A_166, %dma_wait3A_167] : memref<10000x128xf32, #tpu.memory_space<vmem_shared>> -> memref<10000x128xf32, #tpu.memory_space<vmem_shared>>
      tpu.wait_indirect_dma semaphore(%arg12 : memref<!tpu.dma_semaphore, #tpu.memory_space<semaphore_mem>>) src(%arg7 : memref<80x128xf32, #tpu.memory_space<vmem>>) dst(%dma_wait3A_168 : memref<10000x128xf32, #tpu.memory_space<vmem_shared>>)
      %dma_start3A_169 = arith.constant 2 : i32
      %dma_start3A_170 = arith.constant 0 : i32
      %dma_start3A_171 = tpu.memref_slice %arg5[%dma_start3A_169, %dma_start3A_170] : memref<10x80xi32, #tpu.memory_space<vmem>> -> memref<1x80xi32, #tpu.memory_space<vmem>>
      %dma_start3A_172 = tpu.memref_squeeze %dma_start3A_171 : memref<1x80xi32, #tpu.memory_space<vmem>> -> memref<80xi32, #tpu.memory_space<vmem>>
      %dma_start3A_173 = arith.constant 0 : i32
      %dma_start3A_174 = arith.constant 0 : i32
      %dma_start3A_175 = tpu.memref_slice %arg2[%dma_start3A_173, %dma_start3A_174] : memref<10000x128xf32, #tpu.memory_space<hbm>> -> memref<10000x128xf32, #tpu.memory_space<hbm>>
      tpu.enqueue_indirect_dma source(%dma_start3A_175 : memref<10000x128xf32, #tpu.memory_space<hbm>>) target(%arg7 : memref<80x128xf32, #tpu.memory_space<vmem>>) offsets(%dma_start3A_172 : memref<80xi32, #tpu.memory_space<vmem>>) semaphore(%arg10 : memref<!tpu.dma_semaphore, #tpu.memory_space<semaphore_mem>>)
      %dma_wait3A_176 = arith.constant 1 : i32
      %dma_wait3A_177 = arith.constant 0 : i32
      %dma_wait3A_178 = tpu.memref_slice %arg6[%dma_wait3A_176, %dma_wait3A_177] : memref<10x80xi32, #tpu.memory_space<vmem>> -> memref<1x80xi32, #tpu.memory_space<vmem>>
      %dma_wait3A_179 = tpu.memref_squeeze %dma_wait3A_178 : memref<1x80xi32, #tpu.memory_space<vmem>> -> memref<80xi32, #tpu.memory_space<vmem>>
      %dma_wait3A_180 = arith.constant 0 : i32
      %dma_wait3A_181 = arith.constant 0 : i32
      %dma_wait3A_182 = tpu.memref_slice %arg9[%dma_wait3A_180, %dma_wait3A_181] : memref<10000x128xf32, #tpu.memory_space<vmem_shared>> -> memref<10000x128xf32, #tpu.memory_space<vmem_shared>>
      tpu.wait_indirect_dma semaphore(%arg13 : memref<!tpu.dma_semaphore, #tpu.memory_space<semaphore_mem>>) src(%arg8 : memref<80x128xf32, #tpu.memory_space<vmem>>) dst(%dma_wait3A_182 : memref<10000x128xf32, #tpu.memory_space<vmem_shared>>)
      %dma_start3A_183 = arith.constant 3 : i32
      %dma_start3A_184 = arith.constant 0 : i32
      %dma_start3A_185 = tpu.memref_slice %arg5[%dma_start3A_183, %dma_start3A_184] : memref<10x80xi32, #tpu.memory_space<vmem>> -> memref<1x80xi32, #tpu.memory_space<vmem>>
      %dma_start3A_186 = tpu.memref_squeeze %dma_start3A_185 : memref<1x80xi32, #tpu.memory_space<vmem>> -> memref<80xi32, #tpu.memory_space<vmem>>
      %dma_start3A_187 = arith.constant 0 : i32
      %dma_start3A_188 = arith.constant 0 : i32
      %dma_start3A_189 = tpu.memref_slice %arg2[%dma_start3A_187, %dma_start3A_188] : memref<10000x128xf32, #tpu.memory_space<hbm>> -> memref<10000x128xf32, #tpu.memory_space<hbm>>
      tpu.enqueue_indirect_dma source(%dma_start3A_189 : memref<10000x128xf32, #tpu.memory_space<hbm>>) target(%arg8 : memref<80x128xf32, #tpu.memory_space<vmem>>) offsets(%dma_start3A_186 : memref<80xi32, #tpu.memory_space<vmem>>) semaphore(%arg11 : memref<!tpu.dma_semaphore, #tpu.memory_space<semaphore_mem>>)
      %dma_wait3A_190 = arith.constant 2 : i32
      %dma_wait3A_191 = arith.constant 0 : i32
      %dma_wait3A_192 = tpu.memref_slice %arg5[%dma_wait3A_190, %dma_wait3A_191] : memref<10x80xi32, #tpu.memory_space<vmem>> -> memref<1x80xi32, #tpu.memory_space<vmem>>
      %dma_wait3A_193 = tpu.memref_squeeze %dma_wait3A_192 : memref<1x80xi32, #tpu.memory_space<vmem>> -> memref<80xi32, #tpu.memory_space<vmem>>
      %dma_wait3A_194 = arith.constant 0 : i32
      %dma_wait3A_195 = arith.constant 0 : i32
      %dma_wait3A_196 = tpu.memref_slice %arg2[%dma_wait3A_194, %dma_wait3A_195] : memref<10000x128xf32, #tpu.memory_space<hbm>> -> memref<10000x128xf32, #tpu.memory_space<hbm>>
      tpu.wait_indirect_dma semaphore(%arg10 : memref<!tpu.dma_semaphore, #tpu.memory_space<semaphore_mem>>) src(%dma_wait3A_196 : memref<10000x128xf32, #tpu.memory_space<hbm>>) dst(%arg7 : memref<80x128xf32, #tpu.memory_space<vmem>>)
      %dma_start3A_197 = arith.constant 2 : i32
      %dma_start3A_198 = arith.constant 0 : i32
      %dma_start3A_199 = tpu.memref_slice %arg6[%dma_start3A_197, %dma_start3A_198] : memref<10x80xi32, #tpu.memory_space<vmem>> -> memref<1x80xi32, #tpu.memory_space<vmem>>
      %dma_start3A_200 = tpu.memref_squeeze %dma_start3A_199 : memref<1x80xi32, #tpu.memory_space<vmem>> -> memref<80xi32, #tpu.memory_space<vmem>>
      %dma_start3A_201 = arith.constant 0 : i32
      %dma_start3A_202 = arith.constant 0 : i32
      %dma_start3A_203 = tpu.memref_slice %arg9[%dma_start3A_201, %dma_start3A_202] : memref<10000x128xf32, #tpu.memory_space<vmem_shared>> -> memref<10000x128xf32, #tpu.memory_space<vmem_shared>>
      tpu.enqueue_indirect_dma source(%arg7 : memref<80x128xf32, #tpu.memory_space<vmem>>) target(%dma_start3A_203 : memref<10000x128xf32, #tpu.memory_space<vmem_shared>>) offsets(%dma_start3A_200 : memref<80xi32, #tpu.memory_space<vmem>>) semaphore(%arg12 : memref<!tpu.dma_semaphore, #tpu.memory_space<semaphore_mem>>) {add = true}
      %dma_wait3A_204 = arith.constant 3 : i32
      %dma_wait3A_205 = arith.constant 0 : i32
      %dma_wait3A_206 = tpu.memref_slice %arg5[%dma_wait3A_204, %dma_wait3A_205] : memref<10x80xi32, #tpu.memory_space<vmem>> -> memref<1x80xi32, #tpu.memory_space<vmem>>
      %dma_wait3A_207 = tpu.memref_squeeze %dma_wait3A_206 : memref<1x80xi32, #tpu.memory_space<vmem>> -> memref<80xi32, #tpu.memory_space<vmem>>
      %dma_wait3A_208 = arith.constant 0 : i32
      %dma_wait3A_209 = arith.constant 0 : i32
      %dma_wait3A_210 = tpu.memref_slice %arg2[%dma_wait3A_208, %dma_wait3A_209] : memref<10000x128xf32, #tpu.memory_space<hbm>> -> memref<10000x128xf32, #tpu.memory_space<hbm>>
      tpu.wait_indirect_dma semaphore(%arg11 : memref<!tpu.dma_semaphore, #tpu.memory_space<semaphore_mem>>) src(%dma_wait3A_210 : memref<10000x128xf32, #tpu.memory_space<hbm>>) dst(%arg8 : memref<80x128xf32, #tpu.memory_space<vmem>>)
      %dma_start3A_211 = arith.constant 3 : i32
      %dma_start3A_212 = arith.constant 0 : i32
      %dma_start3A_213 = tpu.memref_slice %arg6[%dma_start3A_211, %dma_start3A_212] : memref<10x80xi32, #tpu.memory_space<vmem>> -> memref<1x80xi32, #tpu.memory_space<vmem>>
      %dma_start3A_214 = tpu.memref_squeeze %dma_start3A_213 : memref<1x80xi32, #tpu.memory_space<vmem>> -> memref<80xi32, #tpu.memory_space<vmem>>
      %dma_start3A_215 = arith.constant 0 : i32
      %dma_start3A_216 = arith.constant 0 : i32
      %dma_start3A_217 = tpu.memref_slice %arg9[%dma_start3A_215, %dma_start3A_216] : memref<10000x128xf32, #tpu.memory_space<vmem_shared>> -> memref<10000x128xf32, #tpu.memory_space<vmem_shared>>
      tpu.enqueue_indirect_dma source(%arg8 : memref<80x128xf32, #tpu.memory_space<vmem>>) target(%dma_start3A_217 : memref<10000x128xf32, #tpu.memory_space<vmem_shared>>) offsets(%dma_start3A_214 : memref<80xi32, #tpu.memory_space<vmem>>) semaphore(%arg13 : memref<!tpu.dma_semaphore, #tpu.memory_space<semaphore_mem>>) {add = true}
      %dma_wait3A_218 = arith.constant 2 : i32
      %dma_wait3A_219 = arith.constant 0 : i32
      %dma_wait3A_220 = tpu.memref_slice %arg6[%dma_wait3A_218, %dma_wait3A_219] : memref<10x80xi32, #tpu.memory_space<vmem>> -> memref<1x80xi32, #tpu.memory_space<vmem>>
      %dma_wait3A_221 = tpu.memref_squeeze %dma_wait3A_220 : memref<1x80xi32, #tpu.memory_space<vmem>> -> memref<80xi32, #tpu.memory_space<vmem>>
      %dma_wait3A_222 = arith.constant 0 : i32
      %dma_wait3A_223 = arith.constant 0 : i32
      %dma_wait3A_224 = tpu.memref_slice %arg9[%dma_wait3A_222, %dma_wait3A_223] : memref<10000x128xf32, #tpu.memory_space<vmem_shared>> -> memref<10000x128xf32, #tpu.memory_space<vmem_shared>>
      tpu.wait_indirect_dma semaphore(%arg12 : memref<!tpu.dma_semaphore, #tpu.memory_space<semaphore_mem>>) src(%arg7 : memref<80x128xf32, #tpu.memory_space<vmem>>) dst(%dma_wait3A_224 : memref<10000x128xf32, #tpu.memory_space<vmem_shared>>)
      %dma_start3A_225 = arith.constant 4 : i32
      %dma_start3A_226 = arith.constant 0 : i32
      %dma_start3A_227 = tpu.memref_slice %arg5[%dma_start3A_225, %dma_start3A_226] : memref<10x80xi32, #tpu.memory_space<vmem>> -> memref<1x80xi32, #tpu.memory_space<vmem>>
      %dma_start3A_228 = tpu.memref_squeeze %dma_start3A_227 : memref<1x80xi32, #tpu.memory_space<vmem>> -> memref<80xi32, #tpu.memory_space<vmem>>
      %dma_start3A_229 = arith.constant 0 : i32
      %dma_start3A_230 = arith.constant 0 : i32
      %dma_start3A_231 = tpu.memref_slice %arg2[%dma_start3A_229, %dma_start3A_230] : memref<10000x128xf32, #tpu.memory_space<hbm>> -> memref<10000x128xf32, #tpu.memory_space<hbm>>
      tpu.enqueue_indirect_dma source(%dma_start3A_231 : memref<10000x128xf32, #tpu.memory_space<hbm>>) target(%arg7 : memref<80x128xf32, #tpu.memory_space<vmem>>) offsets(%dma_start3A_228 : memref<80xi32, #tpu.memory_space<vmem>>) semaphore(%arg10 : memref<!tpu.dma_semaphore, #tpu.memory_space<semaphore_mem>>)
      %dma_wait3A_232 = arith.constant 3 : i32
      %dma_wait3A_233 = arith.constant 0 : i32
      %dma_wait3A_234 = tpu.memref_slice %arg6[%dma_wait3A_232, %dma_wait3A_233] : memref<10x80xi32, #tpu.memory_space<vmem>> -> memref<1x80xi32, #tpu.memory_space<vmem>>
      %dma_wait3A_235 = tpu.memref_squeeze %dma_wait3A_234 : memref<1x80xi32, #tpu.memory_space<vmem>> -> memref<80xi32, #tpu.memory_space<vmem>>
      %dma_wait3A_236 = arith.constant 0 : i32
      %dma_wait3A_237 = arith.constant 0 : i32
      %dma_wait3A_238 = tpu.memref_slice %arg9[%dma_wait3A_236, %dma_wait3A_237] : memref<10000x128xf32, #tpu.memory_space<vmem_shared>> -> memref<10000x128xf32, #tpu.memory_space<vmem_shared>>
      tpu.wait_indirect_dma semaphore(%arg13 : memref<!tpu.dma_semaphore, #tpu.memory_space<semaphore_mem>>) src(%arg8 : memref<80x128xf32, #tpu.memory_space<vmem>>) dst(%dma_wait3A_238 : memref<10000x128xf32, #tpu.memory_space<vmem_shared>>)
      %dma_start3A_239 = arith.constant 5 : i32
      %dma_start3A_240 = arith.constant 0 : i32
      %dma_start3A_241 = tpu.memref_slice %arg5[%dma_start3A_239, %dma_start3A_240] : memref<10x80xi32, #tpu.memory_space<vmem>> -> memref<1x80xi32, #tpu.memory_space<vmem>>
      %dma_start3A_242 = tpu.memref_squeeze %dma_start3A_241 : memref<1x80xi32, #tpu.memory_space<vmem>> -> memref<80xi32, #tpu.memory_space<vmem>>
      %dma_start3A_243 = arith.constant 0 : i32
      %dma_start3A_244 = arith.constant 0 : i32
      %dma_start3A_245 = tpu.memref_slice %arg2[%dma_start3A_243, %dma_start3A_244] : memref<10000x128xf32, #tpu.memory_space<hbm>> -> memref<10000x128xf32, #tpu.memory_space<hbm>>
      tpu.enqueue_indirect_dma source(%dma_start3A_245 : memref<10000x128xf32, #tpu.memory_space<hbm>>) target(%arg8 : memref<80x128xf32, #tpu.memory_space<vmem>>) offsets(%dma_start3A_242 : memref<80xi32, #tpu.memory_space<vmem>>) semaphore(%arg11 : memref<!tpu.dma_semaphore, #tpu.memory_space<semaphore_mem>>)
      %dma_wait3A_246 = arith.constant 4 : i32
      %dma_wait3A_247 = arith.constant 0 : i32
      %dma_wait3A_248 = tpu.memref_slice %arg5[%dma_wait3A_246, %dma_wait3A_247] : memref<10x80xi32, #tpu.memory_space<vmem>> -> memref<1x80xi32, #tpu.memory_space<vmem>>
      %dma_wait3A_249 = tpu.memref_squeeze %dma_wait3A_248 : memref<1x80xi32, #tpu.memory_space<vmem>> -> memref<80xi32, #tpu.memory_space<vmem>>
      %dma_wait3A_250 = arith.constant 0 : i32
      %dma_wait3A_251 = arith.constant 0 : i32
      %dma_wait3A_252 = tpu.memref_slice %arg2[%dma_wait3A_250, %dma_wait3A_251] : memref<10000x128xf32, #tpu.memory_space<hbm>> -> memref<10000x128xf32, #tpu.memory_space<hbm>>
      tpu.wait_indirect_dma semaphore(%arg10 : memref<!tpu.dma_semaphore, #tpu.memory_space<semaphore_mem>>) src(%dma_wait3A_252 : memref<10000x128xf32, #tpu.memory_space<hbm>>) dst(%arg7 : memref<80x128xf32, #tpu.memory_space<vmem>>)
      %dma_start3A_253 = arith.constant 4 : i32
      %dma_start3A_254 = arith.constant 0 : i32
      %dma_start3A_255 = tpu.memref_slice %arg6[%dma_start3A_253, %dma_start3A_254] : memref<10x80xi32, #tpu.memory_space<vmem>> -> memref<1x80xi32, #tpu.memory_space<vmem>>
      %dma_start3A_256 = tpu.memref_squeeze %dma_start3A_255 : memref<1x80xi32, #tpu.memory_space<vmem>> -> memref<80xi32, #tpu.memory_space<vmem>>
      %dma_start3A_257 = arith.constant 0 : i32
      %dma_start3A_258 = arith.constant 0 : i32
      %dma_start3A_259 = tpu.memref_slice %arg9[%dma_start3A_257, %dma_start3A_258] : memref<10000x128xf32, #tpu.memory_space<vmem_shared>> -> memref<10000x128xf32, #tpu.memory_space<vmem_shared>>
      tpu.enqueue_indirect_dma source(%arg7 : memref<80x128xf32, #tpu.memory_space<vmem>>) target(%dma_start3A_259 : memref<10000x128xf32, #tpu.memory_space<vmem_shared>>) offsets(%dma_start3A_256 : memref<80xi32, #tpu.memory_space<vmem>>) semaphore(%arg12 : memref<!tpu.dma_semaphore, #tpu.memory_space<semaphore_mem>>) {add = true}
      %dma_wait3A_260 = arith.constant 5 : i32
      %dma_wait3A_261 = arith.constant 0 : i32
      %dma_wait3A_262 = tpu.memref_slice %arg5[%dma_wait3A_260, %dma_wait3A_261] : memref<10x80xi32, #tpu.memory_space<vmem>> -> memref<1x80xi32, #tpu.memory_space<vmem>>
      %dma_wait3A_263 = tpu.memref_squeeze %dma_wait3A_262 : memref<1x80xi32, #tpu.memory_space<vmem>> -> memref<80xi32, #tpu.memory_space<vmem>>
      %dma_wait3A_264 = arith.constant 0 : i32
      %dma_wait3A_265 = arith.constant 0 : i32
      %dma_wait3A_266 = tpu.memref_slice %arg2[%dma_wait3A_264, %dma_wait3A_265] : memref<10000x128xf32, #tpu.memory_space<hbm>> -> memref<10000x128xf32, #tpu.memory_space<hbm>>
      tpu.wait_indirect_dma semaphore(%arg11 : memref<!tpu.dma_semaphore, #tpu.memory_space<semaphore_mem>>) src(%dma_wait3A_266 : memref<10000x128xf32, #tpu.memory_space<hbm>>) dst(%arg8 : memref<80x128xf32, #tpu.memory_space<vmem>>)
      %dma_start3A_267 = arith.constant 5 : i32
      %dma_start3A_268 = arith.constant 0 : i32
      %dma_start3A_269 = tpu.memref_slice %arg6[%dma_start3A_267, %dma_start3A_268] : memref<10x80xi32, #tpu.memory_space<vmem>> -> memref<1x80xi32, #tpu.memory_space<vmem>>
      %dma_start3A_270 = tpu.memref_squeeze %dma_start3A_269 : memref<1x80xi32, #tpu.memory_space<vmem>> -> memref<80xi32, #tpu.memory_space<vmem>>
      %dma_start3A_271 = arith.constant 0 : i32
      %dma_start3A_272 = arith.constant 0 : i32
      %dma_start3A_273 = tpu.memref_slice %arg9[%dma_start3A_271, %dma_start3A_272] : memref<10000x128xf32, #tpu.memory_space<vmem_shared>> -> memref<10000x128xf32, #tpu.memory_space<vmem_shared>>
      tpu.enqueue_indirect_dma source(%arg8 : memref<80x128xf32, #tpu.memory_space<vmem>>) target(%dma_start3A_273 : memref<10000x128xf32, #tpu.memory_space<vmem_shared>>) offsets(%dma_start3A_270 : memref<80xi32, #tpu.memory_space<vmem>>) semaphore(%arg13 : memref<!tpu.dma_semaphore, #tpu.memory_space<semaphore_mem>>) {add = true}
      %dma_wait3A_274 = arith.constant 4 : i32
      %dma_wait3A_275 = arith.constant 0 : i32
      %dma_wait3A_276 = tpu.memref_slice %arg6[%dma_wait3A_274, %dma_wait3A_275] : memref<10x80xi32, #tpu.memory_space<vmem>> -> memref<1x80xi32, #tpu.memory_space<vmem>>
      %dma_wait3A_277 = tpu.memref_squeeze %dma_wait3A_276 : memref<1x80xi32, #tpu.memory_space<vmem>> -> memref<80xi32, #tpu.memory_space<vmem>>
      %dma_wait3A_278 = arith.constant 0 : i32
      %dma_wait3A_279 = arith.constant 0 : i32
      %dma_wait3A_280 = tpu.memref_slice %arg9[%dma_wait3A_278, %dma_wait3A_279] : memref<10000x128xf32, #tpu.memory_space<vmem_shared>> -> memref<10000x128xf32, #tpu.memory_space<vmem_shared>>
      tpu.wait_indirect_dma semaphore(%arg12 : memref<!tpu.dma_semaphore, #tpu.memory_space<semaphore_mem>>) src(%arg7 : memref<80x128xf32, #tpu.memory_space<vmem>>) dst(%dma_wait3A_280 : memref<10000x128xf32, #tpu.memory_space<vmem_shared>>)
      %dma_start3A_281 = arith.constant 6 : i32
      %dma_start3A_282 = arith.constant 0 : i32
      %dma_start3A_283 = tpu.memref_slice %arg5[%dma_start3A_281, %dma_start3A_282] : memref<10x80xi32, #tpu.memory_space<vmem>> -> memref<1x80xi32, #tpu.memory_space<vmem>>
      %dma_start3A_284 = tpu.memref_squeeze %dma_start3A_283 : memref<1x80xi32, #tpu.memory_space<vmem>> -> memref<80xi32, #tpu.memory_space<vmem>>
      %dma_start3A_285 = arith.constant 0 : i32
      %dma_start3A_286 = arith.constant 0 : i32
      %dma_start3A_287 = tpu.memref_slice %arg2[%dma_start3A_285, %dma_start3A_286] : memref<10000x128xf32, #tpu.memory_space<hbm>> -> memref<10000x128xf32, #tpu.memory_space<hbm>>
      tpu.enqueue_indirect_dma source(%dma_start3A_287 : memref<10000x128xf32, #tpu.memory_space<hbm>>) target(%arg7 : memref<80x128xf32, #tpu.memory_space<vmem>>) offsets(%dma_start3A_284 : memref<80xi32, #tpu.memory_space<vmem>>) semaphore(%arg10 : memref<!tpu.dma_semaphore, #tpu.memory_space<semaphore_mem>>)
      %dma_wait3A_288 = arith.constant 5 : i32
      %dma_wait3A_289 = arith.constant 0 : i32
      %dma_wait3A_290 = tpu.memref_slice %arg6[%dma_wait3A_288, %dma_wait3A_289] : memref<10x80xi32, #tpu.memory_space<vmem>> -> memref<1x80xi32, #tpu.memory_space<vmem>>
      %dma_wait3A_291 = tpu.memref_squeeze %dma_wait3A_290 : memref<1x80xi32, #tpu.memory_space<vmem>> -> memref<80xi32, #tpu.memory_space<vmem>>
      %dma_wait3A_292 = arith.constant 0 : i32
      %dma_wait3A_293 = arith.constant 0 : i32
      %dma_wait3A_294 = tpu.memref_slice %arg9[%dma_wait3A_292, %dma_wait3A_293] : memref<10000x128xf32, #tpu.memory_space<vmem_shared>> -> memref<10000x128xf32, #tpu.memory_space<vmem_shared>>
      tpu.wait_indirect_dma semaphore(%arg13 : memref<!tpu.dma_semaphore, #tpu.memory_space<semaphore_mem>>) src(%arg8 : memref<80x128xf32, #tpu.memory_space<vmem>>) dst(%dma_wait3A_294 : memref<10000x128xf32, #tpu.memory_space<vmem_shared>>)
      %dma_start3A_295 = arith.constant 7 : i32
      %dma_start3A_296 = arith.constant 0 : i32
      %dma_start3A_297 = tpu.memref_slice %arg5[%dma_start3A_295, %dma_start3A_296] : memref<10x80xi32, #tpu.memory_space<vmem>> -> memref<1x80xi32, #tpu.memory_space<vmem>>
      %dma_start3A_298 = tpu.memref_squeeze %dma_start3A_297 : memref<1x80xi32, #tpu.memory_space<vmem>> -> memref<80xi32, #tpu.memory_space<vmem>>
      %dma_start3A_299 = arith.constant 0 : i32
      %dma_start3A_300 = arith.constant 0 : i32
      %dma_start3A_301 = tpu.memref_slice %arg2[%dma_start3A_299, %dma_start3A_300] : memref<10000x128xf32, #tpu.memory_space<hbm>> -> memref<10000x128xf32, #tpu.memory_space<hbm>>
      tpu.enqueue_indirect_dma source(%dma_start3A_301 : memref<10000x128xf32, #tpu.memory_space<hbm>>) target(%arg8 : memref<80x128xf32, #tpu.memory_space<vmem>>) offsets(%dma_start3A_298 : memref<80xi32, #tpu.memory_space<vmem>>) semaphore(%arg11 : memref<!tpu.dma_semaphore, #tpu.memory_space<semaphore_mem>>)
      %dma_wait3A_302 = arith.constant 6 : i32
      %dma_wait3A_303 = arith.constant 0 : i32
      %dma_wait3A_304 = tpu.memref_slice %arg5[%dma_wait3A_302, %dma_wait3A_303] : memref<10x80xi32, #tpu.memory_space<vmem>> -> memref<1x80xi32, #tpu.memory_space<vmem>>
      %dma_wait3A_305 = tpu.memref_squeeze %dma_wait3A_304 : memref<1x80xi32, #tpu.memory_space<vmem>> -> memref<80xi32, #tpu.memory_space<vmem>>
      %dma_wait3A_306 = arith.constant 0 : i32
      %dma_wait3A_307 = arith.constant 0 : i32
      %dma_wait3A_308 = tpu.memref_slice %arg2[%dma_wait3A_306, %dma_wait3A_307] : memref<10000x128xf32, #tpu.memory_space<hbm>> -> memref<10000x128xf32, #tpu.memory_space<hbm>>
      tpu.wait_indirect_dma semaphore(%arg10 : memref<!tpu.dma_semaphore, #tpu.memory_space<semaphore_mem>>) src(%dma_wait3A_308 : memref<10000x128xf32, #tpu.memory_space<hbm>>) dst(%arg7 : memref<80x128xf32, #tpu.memory_space<vmem>>)
      %dma_start3A_309 = arith.constant 6 : i32
      %dma_start3A_310 = arith.constant 0 : i32
      %dma_start3A_311 = tpu.memref_slice %arg6[%dma_start3A_309, %dma_start3A_310] : memref<10x80xi32, #tpu.memory_space<vmem>> -> memref<1x80xi32, #tpu.memory_space<vmem>>
      %dma_start3A_312 = tpu.memref_squeeze %dma_start3A_311 : memref<1x80xi32, #tpu.memory_space<vmem>> -> memref<80xi32, #tpu.memory_space<vmem>>
      %dma_start3A_313 = arith.constant 0 : i32
      %dma_start3A_314 = arith.constant 0 : i32
      %dma_start3A_315 = tpu.memref_slice %arg9[%dma_start3A_313, %dma_start3A_314] : memref<10000x128xf32, #tpu.memory_space<vmem_shared>> -> memref<10000x128xf32, #tpu.memory_space<vmem_shared>>
      tpu.enqueue_indirect_dma source(%arg7 : memref<80x128xf32, #tpu.memory_space<vmem>>) target(%dma_start3A_315 : memref<10000x128xf32, #tpu.memory_space<vmem_shared>>) offsets(%dma_start3A_312 : memref<80xi32, #tpu.memory_space<vmem>>) semaphore(%arg12 : memref<!tpu.dma_semaphore, #tpu.memory_space<semaphore_mem>>) {add = true}
      %dma_wait3A_316 = arith.constant 7 : i32
      %dma_wait3A_317 = arith.constant 0 : i32
      %dma_wait3A_318 = tpu.memref_slice %arg5[%dma_wait3A_316, %dma_wait3A_317] : memref<10x80xi32, #tpu.memory_space<vmem>> -> memref<1x80xi32, #tpu.memory_space<vmem>>
      %dma_wait3A_319 = tpu.memref_squeeze %dma_wait3A_318 : memref<1x80xi32, #tpu.memory_space<vmem>> -> memref<80xi32, #tpu.memory_space<vmem>>
      %dma_wait3A_320 = arith.constant 0 : i32
      %dma_wait3A_321 = arith.constant 0 : i32
      %dma_wait3A_322 = tpu.memref_slice %arg2[%dma_wait3A_320, %dma_wait3A_321] : memref<10000x128xf32, #tpu.memory_space<hbm>> -> memref<10000x128xf32, #tpu.memory_space<hbm>>
      tpu.wait_indirect_dma semaphore(%arg11 : memref<!tpu.dma_semaphore, #tpu.memory_space<semaphore_mem>>) src(%dma_wait3A_322 : memref<10000x128xf32, #tpu.memory_space<hbm>>) dst(%arg8 : memref<80x128xf32, #tpu.memory_space<vmem>>)
      %dma_start3A_323 = arith.constant 7 : i32
      %dma_start3A_324 = arith.constant 0 : i32
      %dma_start3A_325 = tpu.memref_slice %arg6[%dma_start3A_323, %dma_start3A_324] : memref<10x80xi32, #tpu.memory_space<vmem>> -> memref<1x80xi32, #tpu.memory_space<vmem>>
      %dma_start3A_326 = tpu.memref_squeeze %dma_start3A_325 : memref<1x80xi32, #tpu.memory_space<vmem>> -> memref<80xi32, #tpu.memory_space<vmem>>
      %dma_start3A_327 = arith.constant 0 : i32
      %dma_start3A_328 = arith.constant 0 : i32
      %dma_start3A_329 = tpu.memref_slice %arg9[%dma_start3A_327, %dma_start3A_328] : memref<10000x128xf32, #tpu.memory_space<vmem_shared>> -> memref<10000x128xf32, #tpu.memory_space<vmem_shared>>
      tpu.enqueue_indirect_dma source(%arg8 : memref<80x128xf32, #tpu.memory_space<vmem>>) target(%dma_start3A_329 : memref<10000x128xf32, #tpu.memory_space<vmem_shared>>) offsets(%dma_start3A_326 : memref<80xi32, #tpu.memory_space<vmem>>) semaphore(%arg13 : memref<!tpu.dma_semaphore, #tpu.memory_space<semaphore_mem>>) {add = true}
      %dma_wait3A_330 = arith.constant 6 : i32
      %dma_wait3A_331 = arith.constant 0 : i32
      %dma_wait3A_332 = tpu.memref_slice %arg6[%dma_wait3A_330, %dma_wait3A_331] : memref<10x80xi32, #tpu.memory_space<vmem>> -> memref<1x80xi32, #tpu.memory_space<vmem>>
      %dma_wait3A_333 = tpu.memref_squeeze %dma_wait3A_332 : memref<1x80xi32, #tpu.memory_space<vmem>> -> memref<80xi32, #tpu.memory_space<vmem>>
      %dma_wait3A_334 = arith.constant 0 : i32
      %dma_wait3A_335 = arith.constant 0 : i32
      %dma_wait3A_336 = tpu.memref_slice %arg9[%dma_wait3A_334, %dma_wait3A_335] : memref<10000x128xf32, #tpu.memory_space<vmem_shared>> -> memref<10000x128xf32, #tpu.memory_space<vmem_shared>>
      tpu.wait_indirect_dma semaphore(%arg12 : memref<!tpu.dma_semaphore, #tpu.memory_space<semaphore_mem>>) src(%arg7 : memref<80x128xf32, #tpu.memory_space<vmem>>) dst(%dma_wait3A_336 : memref<10000x128xf32, #tpu.memory_space<vmem_shared>>)
      %dma_start3A_337 = arith.constant 8 : i32
      %dma_start3A_338 = arith.constant 0 : i32
      %dma_start3A_339 = tpu.memref_slice %arg5[%dma_start3A_337, %dma_start3A_338] : memref<10x80xi32, #tpu.memory_space<vmem>> -> memref<1x80xi32, #tpu.memory_space<vmem>>
      %dma_start3A_340 = tpu.memref_squeeze %dma_start3A_339 : memref<1x80xi32, #tpu.memory_space<vmem>> -> memref<80xi32, #tpu.memory_space<vmem>>
      %dma_start3A_341 = arith.constant 0 : i32
      %dma_start3A_342 = arith.constant 0 : i32
      %dma_start3A_343 = tpu.memref_slice %arg2[%dma_start3A_341, %dma_start3A_342] : memref<10000x128xf32, #tpu.memory_space<hbm>> -> memref<10000x128xf32, #tpu.memory_space<hbm>>
      tpu.enqueue_indirect_dma source(%dma_start3A_343 : memref<10000x128xf32, #tpu.memory_space<hbm>>) target(%arg7 : memref<80x128xf32, #tpu.memory_space<vmem>>) offsets(%dma_start3A_340 : memref<80xi32, #tpu.memory_space<vmem>>) semaphore(%arg10 : memref<!tpu.dma_semaphore, #tpu.memory_space<semaphore_mem>>)
      %dma_wait3A_344 = arith.constant 7 : i32
      %dma_wait3A_345 = arith.constant 0 : i32
      %dma_wait3A_346 = tpu.memref_slice %arg6[%dma_wait3A_344, %dma_wait3A_345] : memref<10x80xi32, #tpu.memory_space<vmem>> -> memref<1x80xi32, #tpu.memory_space<vmem>>
      %dma_wait3A_347 = tpu.memref_squeeze %dma_wait3A_346 : memref<1x80xi32, #tpu.memory_space<vmem>> -> memref<80xi32, #tpu.memory_space<vmem>>
      %dma_wait3A_348 = arith.constant 0 : i32
      %dma_wait3A_349 = arith.constant 0 : i32
      %dma_wait3A_350 = tpu.memref_slice %arg9[%dma_wait3A_348, %dma_wait3A_349] : memref<10000x128xf32, #tpu.memory_space<vmem_shared>> -> memref<10000x128xf32, #tpu.memory_space<vmem_shared>>
      tpu.wait_indirect_dma semaphore(%arg13 : memref<!tpu.dma_semaphore, #tpu.memory_space<semaphore_mem>>) src(%arg8 : memref<80x128xf32, #tpu.memory_space<vmem>>) dst(%dma_wait3A_350 : memref<10000x128xf32, #tpu.memory_space<vmem_shared>>)
      %dma_start3A_351 = arith.constant 9 : i32
      %dma_start3A_352 = arith.constant 0 : i32
      %dma_start3A_353 = tpu.memref_slice %arg5[%dma_start3A_351, %dma_start3A_352] : memref<10x80xi32, #tpu.memory_space<vmem>> -> memref<1x80xi32, #tpu.memory_space<vmem>>
      %dma_start3A_354 = tpu.memref_squeeze %dma_start3A_353 : memref<1x80xi32, #tpu.memory_space<vmem>> -> memref<80xi32, #tpu.memory_space<vmem>>
      %dma_start3A_355 = arith.constant 0 : i32
      %dma_start3A_356 = arith.constant 0 : i32
      %dma_start3A_357 = tpu.memref_slice %arg2[%dma_start3A_355, %dma_start3A_356] : memref<10000x128xf32, #tpu.memory_space<hbm>> -> memref<10000x128xf32, #tpu.memory_space<hbm>>
      tpu.enqueue_indirect_dma source(%dma_start3A_357 : memref<10000x128xf32, #tpu.memory_space<hbm>>) target(%arg8 : memref<80x128xf32, #tpu.memory_space<vmem>>) offsets(%dma_start3A_354 : memref<80xi32, #tpu.memory_space<vmem>>) semaphore(%arg11 : memref<!tpu.dma_semaphore, #tpu.memory_space<semaphore_mem>>)
      %dma_wait3A_358 = arith.constant 8 : i32
      %dma_wait3A_359 = arith.constant 0 : i32
      %dma_wait3A_360 = tpu.memref_slice %arg5[%dma_wait3A_358, %dma_wait3A_359] : memref<10x80xi32, #tpu.memory_space<vmem>> -> memref<1x80xi32, #tpu.memory_space<vmem>>
      %dma_wait3A_361 = tpu.memref_squeeze %dma_wait3A_360 : memref<1x80xi32, #tpu.memory_space<vmem>> -> memref<80xi32, #tpu.memory_space<vmem>>
      %dma_wait3A_362 = arith.constant 0 : i32
      %dma_wait3A_363 = arith.constant 0 : i32
      %dma_wait3A_364 = tpu.memref_slice %arg2[%dma_wait3A_362, %dma_wait3A_363] : memref<10000x128xf32, #tpu.memory_space<hbm>> -> memref<10000x128xf32, #tpu.memory_space<hbm>>
      tpu.wait_indirect_dma semaphore(%arg10 : memref<!tpu.dma_semaphore, #tpu.memory_space<semaphore_mem>>) src(%dma_wait3A_364 : memref<10000x128xf32, #tpu.memory_space<hbm>>) dst(%arg7 : memref<80x128xf32, #tpu.memory_space<vmem>>)
      %dma_start3A_365 = arith.constant 8 : i32
      %dma_start3A_366 = arith.constant 0 : i32
      %dma_start3A_367 = tpu.memref_slice %arg6[%dma_start3A_365, %dma_start3A_366] : memref<10x80xi32, #tpu.memory_space<vmem>> -> memref<1x80xi32, #tpu.memory_space<vmem>>
      %dma_start3A_368 = tpu.memref_squeeze %dma_start3A_367 : memref<1x80xi32, #tpu.memory_space<vmem>> -> memref<80xi32, #tpu.memory_space<vmem>>
      %dma_start3A_369 = arith.constant 0 : i32
      %dma_start3A_370 = arith.constant 0 : i32
      %dma_start3A_371 = tpu.memref_slice %arg9[%dma_start3A_369, %dma_start3A_370] : memref<10000x128xf32, #tpu.memory_space<vmem_shared>> -> memref<10000x128xf32, #tpu.memory_space<vmem_shared>>
      tpu.enqueue_indirect_dma source(%arg7 : memref<80x128xf32, #tpu.memory_space<vmem>>) target(%dma_start3A_371 : memref<10000x128xf32, #tpu.memory_space<vmem_shared>>) offsets(%dma_start3A_368 : memref<80xi32, #tpu.memory_space<vmem>>) semaphore(%arg12 : memref<!tpu.dma_semaphore, #tpu.memory_space<semaphore_mem>>) {add = true}
      %dma_wait3A_372 = arith.constant 9 : i32
      %dma_wait3A_373 = arith.constant 0 : i32
      %dma_wait3A_374 = tpu.memref_slice %arg5[%dma_wait3A_372, %dma_wait3A_373] : memref<10x80xi32, #tpu.memory_space<vmem>> -> memref<1x80xi32, #tpu.memory_space<vmem>>
      %dma_wait3A_375 = tpu.memref_squeeze %dma_wait3A_374 : memref<1x80xi32, #tpu.memory_space<vmem>> -> memref<80xi32, #tpu.memory_space<vmem>>
      %dma_wait3A_376 = arith.constant 0 : i32
      %dma_wait3A_377 = arith.constant 0 : i32
      %dma_wait3A_378 = tpu.memref_slice %arg2[%dma_wait3A_376, %dma_wait3A_377] : memref<10000x128xf32, #tpu.memory_space<hbm>> -> memref<10000x128xf32, #tpu.memory_space<hbm>>
      tpu.wait_indirect_dma semaphore(%arg11 : memref<!tpu.dma_semaphore, #tpu.memory_space<semaphore_mem>>) src(%dma_wait3A_378 : memref<10000x128xf32, #tpu.memory_space<hbm>>) dst(%arg8 : memref<80x128xf32, #tpu.memory_space<vmem>>)
      %dma_wait3A_379 = arith.constant 8 : i32
      %dma_wait3A_380 = arith.constant 0 : i32
      %dma_wait3A_381 = tpu.memref_slice %arg6[%dma_wait3A_379, %dma_wait3A_380] : memref<10x80xi32, #tpu.memory_space<vmem>> -> memref<1x80xi32, #tpu.memory_space<vmem>>
      %dma_wait3A_382 = tpu.memref_squeeze %dma_wait3A_381 : memref<1x80xi32, #tpu.memory_space<vmem>> -> memref<80xi32, #tpu.memory_space<vmem>>
      %dma_wait3A_383 = arith.constant 0 : i32
      %dma_wait3A_384 = arith.constant 0 : i32
      %dma_wait3A_385 = tpu.memref_slice %arg9[%dma_wait3A_383, %dma_wait3A_384] : memref<10000x128xf32, #tpu.memory_space<vmem_shared>> -> memref<10000x128xf32, #tpu.memory_space<vmem_shared>>
      tpu.wait_indirect_dma semaphore(%arg12 : memref<!tpu.dma_semaphore, #tpu.memory_space<semaphore_mem>>) src(%arg7 : memref<80x128xf32, #tpu.memory_space<vmem>>) dst(%dma_wait3A_385 : memref<10000x128xf32, #tpu.memory_space<vmem_shared>>)
      %run_scoped3A_386 = arith.constant 9 : i32
      "tpu.region"() ({
        %run_scoped3A_387 = tpu.sem_alloc : memref<!tpu.dma_semaphore, #tpu.memory_space<semaphore_mem>>
        %dma_start3A_388 = arith.constant 0 : i32
        %dma_start3A_389 = tpu.memref_slice %arg6[%run_scoped3A_386, %dma_start3A_388] : memref<10x80xi32, #tpu.memory_space<vmem>> -> memref<1x80xi32, #tpu.memory_space<vmem>>
        %dma_start3A_390 = tpu.memref_squeeze %dma_start3A_389 : memref<1x80xi32, #tpu.memory_space<vmem>> -> memref<80xi32, #tpu.memory_space<vmem>>
        %dma_start3A_391 = arith.constant 0 : i32
        %dma_start3A_392 = arith.constant 0 : i32
        %dma_start3A_393 = tpu.memref_slice %arg9[%dma_start3A_391, %dma_start3A_392] : memref<10000x128xf32, #tpu.memory_space<vmem_shared>> -> memref<10000x128xf32, #tpu.memory_space<vmem_shared>>
        tpu.enqueue_indirect_dma source(%arg8 : memref<80x128xf32, #tpu.memory_space<vmem>>) target(%dma_start3A_393 : memref<10000x128xf32, #tpu.memory_space<vmem_shared>>) offsets(%dma_start3A_390 : memref<80xi32, #tpu.memory_space<vmem>>) semaphore(%run_scoped3A_387 : memref<!tpu.dma_semaphore, #tpu.memory_space<semaphore_mem>>) {add = true}
        %dma_wait3A_394 = arith.constant 0 : i32
        %dma_wait3A_395 = tpu.memref_slice %arg6[%run_scoped3A_386, %dma_wait3A_394] : memref<10x80xi32, #tpu.memory_space<vmem>> -> memref<1x80xi32, #tpu.memory_space<vmem>>
        %dma_wait3A_396 = tpu.memref_squeeze %dma_wait3A_395 : memref<1x80xi32, #tpu.memory_space<vmem>> -> memref<80xi32, #tpu.memory_space<vmem>>
        %dma_wait3A_397 = arith.constant 0 : i32
        %dma_wait3A_398 = arith.constant 0 : i32
        %dma_wait3A_399 = tpu.memref_slice %arg9[%dma_wait3A_397, %dma_wait3A_398] : memref<10000x128xf32, #tpu.memory_space<vmem_shared>> -> memref<10000x128xf32, #tpu.memory_space<vmem_shared>>
        tpu.wait_indirect_dma semaphore(%run_scoped3A_387 : memref<!tpu.dma_semaphore, #tpu.memory_space<semaphore_mem>>) src(%arg8 : memref<80x128xf32, #tpu.memory_space<vmem>>) dst(%dma_wait3A_399 : memref<10000x128xf32, #tpu.memory_space<vmem_shared>>)
        tpu.yield
      }) : () -> ()
    }
    %scan3A_62 = arith.constant 25 : i32
    %barrier3A_63 = arith.constant 0 : index
    tpu.barrier barrier_id(%barrier3A_63)
    %add3A_64 = arith.constant 0 : i32
    %add3A_65 = arith.addi %arg1, %add3A_64 : i32
    %lt3A_66 = arith.constant 125 : i32
    %lt3A_67 = arith.cmpi slt, %add3A_65, %lt3A_66 : i32
    %convert_element_type3A_68 = arith.extui %lt3A_67 : i1 to i32
    %cond3A_69 = arith.constant 0 : i32
    %cond3A_70 = arith.cmpi ne, %convert_element_type3A_68, %cond3A_69 : i32
    scf.if %cond3A_70 {
      %mul3A = arith.constant 80 : i32
      %mul3A_120 = arith.muli %add3A_65, %mul3A : i32
      %mul3A_121 = arith.constant 80 : i32
      %mul3A_122 = arith.muli %add3A_65, %mul3A_121 : i32
      "tpu.region"() ({
        %run_scoped3A = tpu.sem_alloc : memref<!tpu.dma_semaphore, #tpu.memory_space<semaphore_mem>>
        %dma_start3A = arith.constant 0 : i32
        %dma_start3A_123 = tpu.memref_slice %arg4[%arg0, %mul3A_122, %dma_start3A] : memref<2x10000x128xf32, #tpu.memory_space<hbm>> -> memref<1x80x128xf32, #tpu.memory_space<hbm>>
        %dma_start3A_124 = tpu.memref_squeeze %dma_start3A_123 : memref<1x80x128xf32, #tpu.memory_space<hbm>> -> memref<80x128xf32, #tpu.memory_space<hbm>>
        %dma_start3A_125 = arith.constant 0 : i32
        %dma_start3A_126 = tpu.memref_slice %arg9[%mul3A_120, %dma_start3A_125] : memref<10000x128xf32, #tpu.memory_space<vmem_shared>> -> memref<80x128xf32, #tpu.memory_space<vmem_shared>>
        tpu.enqueue_dma source(%dma_start3A_126 : memref<80x128xf32, #tpu.memory_space<vmem_shared>>) target(%dma_start3A_124 : memref<80x128xf32, #tpu.memory_space<hbm>>) target_semaphore(%run_scoped3A : memref<!tpu.dma_semaphore, #tpu.memory_space<semaphore_mem>>)
        %dma_wait3A = arith.constant 0 : i32
        %dma_wait3A_127 = tpu.memref_slice %arg4[%arg0, %mul3A_122, %dma_wait3A] : memref<2x10000x128xf32, #tpu.memory_space<hbm>> -> memref<1x80x128xf32, #tpu.memory_space<hbm>>
        %dma_wait3A_128 = tpu.memref_squeeze %dma_wait3A_127 : memref<1x80x128xf32, #tpu.memory_space<hbm>> -> memref<80x128xf32, #tpu.memory_space<hbm>>
        %dma_wait3A_129 = arith.constant 0 : i32
        %dma_wait3A_130 = tpu.memref_slice %arg9[%mul3A_120, %dma_wait3A_129] : memref<10000x128xf32, #tpu.memory_space<vmem_shared>> -> memref<80x128xf32, #tpu.memory_space<vmem_shared>>
        tpu.wait_dma2 semaphore(%run_scoped3A : memref<!tpu.dma_semaphore, #tpu.memory_space<semaphore_mem>>) src(%dma_wait3A_130 : memref<80x128xf32, #tpu.memory_space<vmem_shared>>) dst(%dma_wait3A_128 : memref<80x128xf32, #tpu.memory_space<hbm>>)
        tpu.yield
      }) : () -> ()
    } else {
    }
    %add3A_71 = arith.constant 16 : i32
    %add3A_72 = arith.addi %arg1, %add3A_71 : i32
    %lt3A_73 = arith.constant 125 : i32
    %lt3A_74 = arith.cmpi slt, %add3A_72, %lt3A_73 : i32
    %convert_element_type3A_75 = arith.extui %lt3A_74 : i1 to i32
    %cond3A_76 = arith.constant 0 : i32
    %cond3A_77 = arith.cmpi ne, %convert_element_type3A_75, %cond3A_76 : i32
    scf.if %cond3A_77 {
      %mul3A = arith.constant 80 : i32
      %mul3A_120 = arith.muli %add3A_72, %mul3A : i32
      %mul3A_121 = arith.constant 80 : i32
      %mul3A_122 = arith.muli %add3A_72, %mul3A_121 : i32
      "tpu.region"() ({
        %run_scoped3A = tpu.sem_alloc : memref<!tpu.dma_semaphore, #tpu.memory_space<semaphore_mem>>
        %dma_start3A = arith.constant 0 : i32
        %dma_start3A_123 = tpu.memref_slice %arg4[%arg0, %mul3A_122, %dma_start3A] : memref<2x10000x128xf32, #tpu.memory_space<hbm>> -> memref<1x80x128xf32, #tpu.memory_space<hbm>>
        %dma_start3A_124 = tpu.memref_squeeze %dma_start3A_123 : memref<1x80x128xf32, #tpu.memory_space<hbm>> -> memref<80x128xf32, #tpu.memory_space<hbm>>
        %dma_start3A_125 = arith.constant 0 : i32
        %dma_start3A_126 = tpu.memref_slice %arg9[%mul3A_120, %dma_start3A_125] : memref<10000x128xf32, #tpu.memory_space<vmem_shared>> -> memref<80x128xf32, #tpu.memory_space<vmem_shared>>
        tpu.enqueue_dma source(%dma_start3A_126 : memref<80x128xf32, #tpu.memory_space<vmem_shared>>) target(%dma_start3A_124 : memref<80x128xf32, #tpu.memory_space<hbm>>) target_semaphore(%run_scoped3A : memref<!tpu.dma_semaphore, #tpu.memory_space<semaphore_mem>>)
        %dma_wait3A = arith.constant 0 : i32
        %dma_wait3A_127 = tpu.memref_slice %arg4[%arg0, %mul3A_122, %dma_wait3A] : memref<2x10000x128xf32, #tpu.memory_space<hbm>> -> memref<1x80x128xf32, #tpu.memory_space<hbm>>
        %dma_wait3A_128 = tpu.memref_squeeze %dma_wait3A_127 : memref<1x80x128xf32, #tpu.memory_space<hbm>> -> memref<80x128xf32, #tpu.memory_space<hbm>>
        %dma_wait3A_129 = arith.constant 0 : i32
        %dma_wait3A_130 = tpu.memref_slice %arg9[%mul3A_120, %dma_wait3A_129] : memref<10000x128xf32, #tpu.memory_space<vmem_shared>> -> memref<80x128xf32, #tpu.memory_space<vmem_shared>>
        tpu.wait_dma2 semaphore(%run_scoped3A : memref<!tpu.dma_semaphore, #tpu.memory_space<semaphore_mem>>) src(%dma_wait3A_130 : memref<80x128xf32, #tpu.memory_space<vmem_shared>>) dst(%dma_wait3A_128 : memref<80x128xf32, #tpu.memory_space<hbm>>)
        tpu.yield
      }) : () -> ()
    } else {
    }
    %add3A_78 = arith.constant 32 : i32
    %add3A_79 = arith.addi %arg1, %add3A_78 : i32
    %lt3A_80 = arith.constant 125 : i32
    %lt3A_81 = arith.cmpi slt, %add3A_79, %lt3A_80 : i32
    %convert_element_type3A_82 = arith.extui %lt3A_81 : i1 to i32
    %cond3A_83 = arith.constant 0 : i32
    %cond3A_84 = arith.cmpi ne, %convert_element_type3A_82, %cond3A_83 : i32
    scf.if %cond3A_84 {
      %mul3A = arith.constant 80 : i32
      %mul3A_120 = arith.muli %add3A_79, %mul3A : i32
      %mul3A_121 = arith.constant 80 : i32
      %mul3A_122 = arith.muli %add3A_79, %mul3A_121 : i32
      "tpu.region"() ({
        %run_scoped3A = tpu.sem_alloc : memref<!tpu.dma_semaphore, #tpu.memory_space<semaphore_mem>>
        %dma_start3A = arith.constant 0 : i32
        %dma_start3A_123 = tpu.memref_slice %arg4[%arg0, %mul3A_122, %dma_start3A] : memref<2x10000x128xf32, #tpu.memory_space<hbm>> -> memref<1x80x128xf32, #tpu.memory_space<hbm>>
        %dma_start3A_124 = tpu.memref_squeeze %dma_start3A_123 : memref<1x80x128xf32, #tpu.memory_space<hbm>> -> memref<80x128xf32, #tpu.memory_space<hbm>>
        %dma_start3A_125 = arith.constant 0 : i32
        %dma_start3A_126 = tpu.memref_slice %arg9[%mul3A_120, %dma_start3A_125] : memref<10000x128xf32, #tpu.memory_space<vmem_shared>> -> memref<80x128xf32, #tpu.memory_space<vmem_shared>>
        tpu.enqueue_dma source(%dma_start3A_126 : memref<80x128xf32, #tpu.memory_space<vmem_shared>>) target(%dma_start3A_124 : memref<80x128xf32, #tpu.memory_space<hbm>>) target_semaphore(%run_scoped3A : memref<!tpu.dma_semaphore, #tpu.memory_space<semaphore_mem>>)
        %dma_wait3A = arith.constant 0 : i32
        %dma_wait3A_127 = tpu.memref_slice %arg4[%arg0, %mul3A_122, %dma_wait3A] : memref<2x10000x128xf32, #tpu.memory_space<hbm>> -> memref<1x80x128xf32, #tpu.memory_space<hbm>>
        %dma_wait3A_128 = tpu.memref_squeeze %dma_wait3A_127 : memref<1x80x128xf32, #tpu.memory_space<hbm>> -> memref<80x128xf32, #tpu.memory_space<hbm>>
        %dma_wait3A_129 = arith.constant 0 : i32
        %dma_wait3A_130 = tpu.memref_slice %arg9[%mul3A_120, %dma_wait3A_129] : memref<10000x128xf32, #tpu.memory_space<vmem_shared>> -> memref<80x128xf32, #tpu.memory_space<vmem_shared>>
        tpu.wait_dma2 semaphore(%run_scoped3A : memref<!tpu.dma_semaphore, #tpu.memory_space<semaphore_mem>>) src(%dma_wait3A_130 : memref<80x128xf32, #tpu.memory_space<vmem_shared>>) dst(%dma_wait3A_128 : memref<80x128xf32, #tpu.memory_space<hbm>>)
        tpu.yield
      }) : () -> ()
    } else {
    }
    %add3A_85 = arith.constant 48 : i32
    %add3A_86 = arith.addi %arg1, %add3A_85 : i32
    %lt3A_87 = arith.constant 125 : i32
    %lt3A_88 = arith.cmpi slt, %add3A_86, %lt3A_87 : i32
    %convert_element_type3A_89 = arith.extui %lt3A_88 : i1 to i32
    %cond3A_90 = arith.constant 0 : i32
    %cond3A_91 = arith.cmpi ne, %convert_element_type3A_89, %cond3A_90 : i32
    scf.if %cond3A_91 {
      %mul3A = arith.constant 80 : i32
      %mul3A_120 = arith.muli %add3A_86, %mul3A : i32
      %mul3A_121 = arith.constant 80 : i32
      %mul3A_122 = arith.muli %add3A_86, %mul3A_121 : i32
      "tpu.region"() ({
        %run_scoped3A = tpu.sem_alloc : memref<!tpu.dma_semaphore, #tpu.memory_space<semaphore_mem>>
        %dma_start3A = arith.constant 0 : i32
        %dma_start3A_123 = tpu.memref_slice %arg4[%arg0, %mul3A_122, %dma_start3A] : memref<2x10000x128xf32, #tpu.memory_space<hbm>> -> memref<1x80x128xf32, #tpu.memory_space<hbm>>
        %dma_start3A_124 = tpu.memref_squeeze %dma_start3A_123 : memref<1x80x128xf32, #tpu.memory_space<hbm>> -> memref<80x128xf32, #tpu.memory_space<hbm>>
        %dma_start3A_125 = arith.constant 0 : i32
        %dma_start3A_126 = tpu.memref_slice %arg9[%mul3A_120, %dma_start3A_125] : memref<10000x128xf32, #tpu.memory_space<vmem_shared>> -> memref<80x128xf32, #tpu.memory_space<vmem_shared>>
        tpu.enqueue_dma source(%dma_start3A_126 : memref<80x128xf32, #tpu.memory_space<vmem_shared>>) target(%dma_start3A_124 : memref<80x128xf32, #tpu.memory_space<hbm>>) target_semaphore(%run_scoped3A : memref<!tpu.dma_semaphore, #tpu.memory_space<semaphore_mem>>)
        %dma_wait3A = arith.constant 0 : i32
        %dma_wait3A_127 = tpu.memref_slice %arg4[%arg0, %mul3A_122, %dma_wait3A] : memref<2x10000x128xf32, #tpu.memory_space<hbm>> -> memref<1x80x128xf32, #tpu.memory_space<hbm>>
        %dma_wait3A_128 = tpu.memref_squeeze %dma_wait3A_127 : memref<1x80x128xf32, #tpu.memory_space<hbm>> -> memref<80x128xf32, #tpu.memory_space<hbm>>
        %dma_wait3A_129 = arith.constant 0 : i32
        %dma_wait3A_130 = tpu.memref_slice %arg9[%mul3A_120, %dma_wait3A_129] : memref<10000x128xf32, #tpu.memory_space<vmem_shared>> -> memref<80x128xf32, #tpu.memory_space<vmem_shared>>
        tpu.wait_dma2 semaphore(%run_scoped3A : memref<!tpu.dma_semaphore, #tpu.memory_space<semaphore_mem>>) src(%dma_wait3A_130 : memref<80x128xf32, #tpu.memory_space<vmem_shared>>) dst(%dma_wait3A_128 : memref<80x128xf32, #tpu.memory_space<hbm>>)
        tpu.yield
      }) : () -> ()
    } else {
    }
    %add3A_92 = arith.constant 64 : i32
    %add3A_93 = arith.addi %arg1, %add3A_92 : i32
    %lt3A_94 = arith.constant 125 : i32
    %lt3A_95 = arith.cmpi slt, %add3A_93, %lt3A_94 : i32
    %convert_element_type3A_96 = arith.extui %lt3A_95 : i1 to i32
    %cond3A_97 = arith.constant 0 : i32
    %cond3A_98 = arith.cmpi ne, %convert_element_type3A_96, %cond3A_97 : i32
    scf.if %cond3A_98 {
      %mul3A = arith.constant 80 : i32
      %mul3A_120 = arith.muli %add3A_93, %mul3A : i32
      %mul3A_121 = arith.constant 80 : i32
      %mul3A_122 = arith.muli %add3A_93, %mul3A_121 : i32
      "tpu.region"() ({
        %run_scoped3A = tpu.sem_alloc : memref<!tpu.dma_semaphore, #tpu.memory_space<semaphore_mem>>
        %dma_start3A = arith.constant 0 : i32
        %dma_start3A_123 = tpu.memref_slice %arg4[%arg0, %mul3A_122, %dma_start3A] : memref<2x10000x128xf32, #tpu.memory_space<hbm>> -> memref<1x80x128xf32, #tpu.memory_space<hbm>>
        %dma_start3A_124 = tpu.memref_squeeze %dma_start3A_123 : memref<1x80x128xf32, #tpu.memory_space<hbm>> -> memref<80x128xf32, #tpu.memory_space<hbm>>
        %dma_start3A_125 = arith.constant 0 : i32
        %dma_start3A_126 = tpu.memref_slice %arg9[%mul3A_120, %dma_start3A_125] : memref<10000x128xf32, #tpu.memory_space<vmem_shared>> -> memref<80x128xf32, #tpu.memory_space<vmem_shared>>
        tpu.enqueue_dma source(%dma_start3A_126 : memref<80x128xf32, #tpu.memory_space<vmem_shared>>) target(%dma_start3A_124 : memref<80x128xf32, #tpu.memory_space<hbm>>) target_semaphore(%run_scoped3A : memref<!tpu.dma_semaphore, #tpu.memory_space<semaphore_mem>>)
        %dma_wait3A = arith.constant 0 : i32
        %dma_wait3A_127 = tpu.memref_slice %arg4[%arg0, %mul3A_122, %dma_wait3A] : memref<2x10000x128xf32, #tpu.memory_space<hbm>> -> memref<1x80x128xf32, #tpu.memory_space<hbm>>
        %dma_wait3A_128 = tpu.memref_squeeze %dma_wait3A_127 : memref<1x80x128xf32, #tpu.memory_space<hbm>> -> memref<80x128xf32, #tpu.memory_space<hbm>>
        %dma_wait3A_129 = arith.constant 0 : i32
        %dma_wait3A_130 = tpu.memref_slice %arg9[%mul3A_120, %dma_wait3A_129] : memref<10000x128xf32, #tpu.memory_space<vmem_shared>> -> memref<80x128xf32, #tpu.memory_space<vmem_shared>>
        tpu.wait_dma2 semaphore(%run_scoped3A : memref<!tpu.dma_semaphore, #tpu.memory_space<semaphore_mem>>) src(%dma_wait3A_130 : memref<80x128xf32, #tpu.memory_space<vmem_shared>>) dst(%dma_wait3A_128 : memref<80x128xf32, #tpu.memory_space<hbm>>)
        tpu.yield
      }) : () -> ()
    } else {
    }
    %add3A_99 = arith.constant 80 : i32
    %add3A_100 = arith.addi %arg1, %add3A_99 : i32
    %lt3A_101 = arith.constant 125 : i32
    %lt3A_102 = arith.cmpi slt, %add3A_100, %lt3A_101 : i32
    %convert_element_type3A_103 = arith.extui %lt3A_102 : i1 to i32
    %cond3A_104 = arith.constant 0 : i32
    %cond3A_105 = arith.cmpi ne, %convert_element_type3A_103, %cond3A_104 : i32
    scf.if %cond3A_105 {
      %mul3A = arith.constant 80 : i32
      %mul3A_120 = arith.muli %add3A_100, %mul3A : i32
      %mul3A_121 = arith.constant 80 : i32
      %mul3A_122 = arith.muli %add3A_100, %mul3A_121 : i32
      "tpu.region"() ({
        %run_scoped3A = tpu.sem_alloc : memref<!tpu.dma_semaphore, #tpu.memory_space<semaphore_mem>>
        %dma_start3A = arith.constant 0 : i32
        %dma_start3A_123 = tpu.memref_slice %arg4[%arg0, %mul3A_122, %dma_start3A] : memref<2x10000x128xf32, #tpu.memory_space<hbm>> -> memref<1x80x128xf32, #tpu.memory_space<hbm>>
        %dma_start3A_124 = tpu.memref_squeeze %dma_start3A_123 : memref<1x80x128xf32, #tpu.memory_space<hbm>> -> memref<80x128xf32, #tpu.memory_space<hbm>>
        %dma_start3A_125 = arith.constant 0 : i32
        %dma_start3A_126 = tpu.memref_slice %arg9[%mul3A_120, %dma_start3A_125] : memref<10000x128xf32, #tpu.memory_space<vmem_shared>> -> memref<80x128xf32, #tpu.memory_space<vmem_shared>>
        tpu.enqueue_dma source(%dma_start3A_126 : memref<80x128xf32, #tpu.memory_space<vmem_shared>>) target(%dma_start3A_124 : memref<80x128xf32, #tpu.memory_space<hbm>>) target_semaphore(%run_scoped3A : memref<!tpu.dma_semaphore, #tpu.memory_space<semaphore_mem>>)
        %dma_wait3A = arith.constant 0 : i32
        %dma_wait3A_127 = tpu.memref_slice %arg4[%arg0, %mul3A_122, %dma_wait3A] : memref<2x10000x128xf32, #tpu.memory_space<hbm>> -> memref<1x80x128xf32, #tpu.memory_space<hbm>>
        %dma_wait3A_128 = tpu.memref_squeeze %dma_wait3A_127 : memref<1x80x128xf32, #tpu.memory_space<hbm>> -> memref<80x128xf32, #tpu.memory_space<hbm>>
        %dma_wait3A_129 = arith.constant 0 : i32
        %dma_wait3A_130 = tpu.memref_slice %arg9[%mul3A_120, %dma_wait3A_129] : memref<10000x128xf32, #tpu.memory_space<vmem_shared>> -> memref<80x128xf32, #tpu.memory_space<vmem_shared>>
        tpu.wait_dma2 semaphore(%run_scoped3A : memref<!tpu.dma_semaphore, #tpu.memory_space<semaphore_mem>>) src(%dma_wait3A_130 : memref<80x128xf32, #tpu.memory_space<vmem_shared>>) dst(%dma_wait3A_128 : memref<80x128xf32, #tpu.memory_space<hbm>>)
        tpu.yield
      }) : () -> ()
    } else {
    }
    %add3A_106 = arith.constant 96 : i32
    %add3A_107 = arith.addi %arg1, %add3A_106 : i32
    %lt3A_108 = arith.constant 125 : i32
    %lt3A_109 = arith.cmpi slt, %add3A_107, %lt3A_108 : i32
    %convert_element_type3A_110 = arith.extui %lt3A_109 : i1 to i32
    %cond3A_111 = arith.constant 0 : i32
    %cond3A_112 = arith.cmpi ne, %convert_element_type3A_110, %cond3A_111 : i32
    scf.if %cond3A_112 {
      %mul3A = arith.constant 80 : i32
      %mul3A_120 = arith.muli %add3A_107, %mul3A : i32
      %mul3A_121 = arith.constant 80 : i32
      %mul3A_122 = arith.muli %add3A_107, %mul3A_121 : i32
      "tpu.region"() ({
        %run_scoped3A = tpu.sem_alloc : memref<!tpu.dma_semaphore, #tpu.memory_space<semaphore_mem>>
        %dma_start3A = arith.constant 0 : i32
        %dma_start3A_123 = tpu.memref_slice %arg4[%arg0, %mul3A_122, %dma_start3A] : memref<2x10000x128xf32, #tpu.memory_space<hbm>> -> memref<1x80x128xf32, #tpu.memory_space<hbm>>
        %dma_start3A_124 = tpu.memref_squeeze %dma_start3A_123 : memref<1x80x128xf32, #tpu.memory_space<hbm>> -> memref<80x128xf32, #tpu.memory_space<hbm>>
        %dma_start3A_125 = arith.constant 0 : i32
        %dma_start3A_126 = tpu.memref_slice %arg9[%mul3A_120, %dma_start3A_125] : memref<10000x128xf32, #tpu.memory_space<vmem_shared>> -> memref<80x128xf32, #tpu.memory_space<vmem_shared>>
        tpu.enqueue_dma source(%dma_start3A_126 : memref<80x128xf32, #tpu.memory_space<vmem_shared>>) target(%dma_start3A_124 : memref<80x128xf32, #tpu.memory_space<hbm>>) target_semaphore(%run_scoped3A : memref<!tpu.dma_semaphore, #tpu.memory_space<semaphore_mem>>)
        %dma_wait3A = arith.constant 0 : i32
        %dma_wait3A_127 = tpu.memref_slice %arg4[%arg0, %mul3A_122, %dma_wait3A] : memref<2x10000x128xf32, #tpu.memory_space<hbm>> -> memref<1x80x128xf32, #tpu.memory_space<hbm>>
        %dma_wait3A_128 = tpu.memref_squeeze %dma_wait3A_127 : memref<1x80x128xf32, #tpu.memory_space<hbm>> -> memref<80x128xf32, #tpu.memory_space<hbm>>
        %dma_wait3A_129 = arith.constant 0 : i32
        %dma_wait3A_130 = tpu.memref_slice %arg9[%mul3A_120, %dma_wait3A_129] : memref<10000x128xf32, #tpu.memory_space<vmem_shared>> -> memref<80x128xf32, #tpu.memory_space<vmem_shared>>
        tpu.wait_dma2 semaphore(%run_scoped3A : memref<!tpu.dma_semaphore, #tpu.memory_space<semaphore_mem>>) src(%dma_wait3A_130 : memref<80x128xf32, #tpu.memory_space<vmem_shared>>) dst(%dma_wait3A_128 : memref<80x128xf32, #tpu.memory_space<hbm>>)
        tpu.yield
      }) : () -> ()
    } else {
    }
    %add3A_113 = arith.constant 112 : i32
    %add3A_114 = arith.addi %arg1, %add3A_113 : i32
    %lt3A_115 = arith.constant 125 : i32
    %lt3A_116 = arith.cmpi slt, %add3A_114, %lt3A_115 : i32
    %convert_element_type3A_117 = arith.extui %lt3A_116 : i1 to i32
    %cond3A_118 = arith.constant 0 : i32
    %cond3A_119 = arith.cmpi ne, %convert_element_type3A_117, %cond3A_118 : i32
    scf.if %cond3A_119 {
      %mul3A = arith.constant 80 : i32
      %mul3A_120 = arith.muli %add3A_114, %mul3A : i32
      %mul3A_121 = arith.constant 80 : i32
      %mul3A_122 = arith.muli %add3A_114, %mul3A_121 : i32
      "tpu.region"() ({
        %run_scoped3A = tpu.sem_alloc : memref<!tpu.dma_semaphore, #tpu.memory_space<semaphore_mem>>
        %dma_start3A = arith.constant 0 : i32
        %dma_start3A_123 = tpu.memref_slice %arg4[%arg0, %mul3A_122, %dma_start3A] : memref<2x10000x128xf32, #tpu.memory_space<hbm>> -> memref<1x80x128xf32, #tpu.memory_space<hbm>>
        %dma_start3A_124 = tpu.memref_squeeze %dma_start3A_123 : memref<1x80x128xf32, #tpu.memory_space<hbm>> -> memref<80x128xf32, #tpu.memory_space<hbm>>
        %dma_start3A_125 = arith.constant 0 : i32
        %dma_start3A_126 = tpu.memref_slice %arg9[%mul3A_120, %dma_start3A_125] : memref<10000x128xf32, #tpu.memory_space<vmem_shared>> -> memref<80x128xf32, #tpu.memory_space<vmem_shared>>
        tpu.enqueue_dma source(%dma_start3A_126 : memref<80x128xf32, #tpu.memory_space<vmem_shared>>) target(%dma_start3A_124 : memref<80x128xf32, #tpu.memory_space<hbm>>) target_semaphore(%run_scoped3A : memref<!tpu.dma_semaphore, #tpu.memory_space<semaphore_mem>>)
        %dma_wait3A = arith.constant 0 : i32
        %dma_wait3A_127 = tpu.memref_slice %arg4[%arg0, %mul3A_122, %dma_wait3A] : memref<2x10000x128xf32, #tpu.memory_space<hbm>> -> memref<1x80x128xf32, #tpu.memory_space<hbm>>
        %dma_wait3A_128 = tpu.memref_squeeze %dma_wait3A_127 : memref<1x80x128xf32, #tpu.memory_space<hbm>> -> memref<80x128xf32, #tpu.memory_space<hbm>>
        %dma_wait3A_129 = arith.constant 0 : i32
        %dma_wait3A_130 = tpu.memref_slice %arg9[%mul3A_120, %dma_wait3A_129] : memref<10000x128xf32, #tpu.memory_space<vmem_shared>> -> memref<80x128xf32, #tpu.memory_space<vmem_shared>>
        tpu.wait_dma2 semaphore(%run_scoped3A : memref<!tpu.dma_semaphore, #tpu.memory_space<semaphore_mem>>) src(%dma_wait3A_130 : memref<80x128xf32, #tpu.memory_space<vmem_shared>>) dst(%dma_wait3A_128 : memref<80x128xf32, #tpu.memory_space<hbm>>)
        tpu.yield
      }) : () -> ()
    } else {
    }
    return
  }
}

module attributes {stable_mosaic.version = 14 : i64} {
  func.func @_mm_body(%arg0: i32, %arg1: memref<400x128xf32, #tpu.memory_space<vmem>>, %arg2: memref<400x128xf32, #tpu.memory_space<vmem>>, %arg3: memref<400x128xf32, #tpu.memory_space<vmem>>, %arg4: memref<384x128xf32, #tpu.memory_space<vmem>>, %arg5: memref<400x128xf32, #tpu.memory_space<vmem>>) attributes {dimension_semantics = [#tpu.dimension_semantics<arbitrary>], iteration_bounds = array<i64: 25>, scalar_prefetch = 0 : i64, scratch_operands = 0 : i64, tpu.core_type = #tpu.core_type<tc>, window_params = [{transform_indices = @transform_0, window_bounds = array<i64: 400, 128>}, {transform_indices = @transform_1, window_bounds = array<i64: 400, 128>}, {transform_indices = @transform_2, window_bounds = array<i64: 400, 128>}, {pipeline_mode = #tpu.pipeline_mode<synchronous>, transform_indices = @transform_3, window_bounds = array<i64: 384, 128>}, {transform_indices = @transform_4, window_bounds = array<i64: 400, 128>}]} {
    %get3A = arith.constant 0 : index
    %get3A_0 = arith.constant 0 : index
    %get3A_1 = vector.load %arg1[%get3A, %get3A_0] : memref<400x128xf32, #tpu.memory_space<vmem>>, vector<400x128xf32>
    %get3A_2 = arith.constant 0 : index
    %get3A_3 = arith.constant 0 : index
    %get3A_4 = vector.load %arg4[%get3A_2, %get3A_3] : memref<384x128xf32, #tpu.memory_space<vmem>>, vector<128x128xf32>
    %dot_general3A = arith.constant dense<0.000000e+00> : vector<400x128xf32>
    %dot_general3A_5 = tpu.matmul %get3A_1, %get3A_4, %dot_general3A {dimension_numbers = #tpu.dot_dimension_numbers<[1], [0], [0], [1], [0, 0, 1, 1], [], []>, transpose_lhs_hint = false} : vector<400x128xf32>, vector<128x128xf32>, vector<400x128xf32> -> vector<400x128xf32>
    %get3A_6 = arith.constant 0 : index
    %get3A_7 = arith.constant 0 : index
    %get3A_8 = vector.load %arg2[%get3A_6, %get3A_7] : memref<400x128xf32, #tpu.memory_space<vmem>>, vector<400x128xf32>
    %get3A_9 = arith.constant 128 : index
    %get3A_10 = arith.constant 0 : index
    %get3A_11 = vector.load %arg4[%get3A_9, %get3A_10] : memref<384x128xf32, #tpu.memory_space<vmem>>, vector<128x128xf32>
    %dot_general3A_12 = arith.constant dense<0.000000e+00> : vector<400x128xf32>
    %dot_general3A_13 = tpu.matmul %get3A_8, %get3A_11, %dot_general3A_12 {dimension_numbers = #tpu.dot_dimension_numbers<[1], [0], [0], [1], [0, 0, 1, 1], [], []>, transpose_lhs_hint = false} : vector<400x128xf32>, vector<128x128xf32>, vector<400x128xf32> -> vector<400x128xf32>
    %add3A = arith.addf %dot_general3A_5, %dot_general3A_13 : vector<400x128xf32>
    %get3A_14 = arith.constant 0 : index
    %get3A_15 = arith.constant 0 : index
    %get3A_16 = vector.load %arg3[%get3A_14, %get3A_15] : memref<400x128xf32, #tpu.memory_space<vmem>>, vector<400x128xf32>
    %get3A_17 = arith.constant 256 : index
    %get3A_18 = arith.constant 0 : index
    %get3A_19 = vector.load %arg4[%get3A_17, %get3A_18] : memref<384x128xf32, #tpu.memory_space<vmem>>, vector<128x128xf32>
    %dot_general3A_20 = arith.constant dense<0.000000e+00> : vector<400x128xf32>
    %dot_general3A_21 = tpu.matmul %get3A_16, %get3A_19, %dot_general3A_20 {dimension_numbers = #tpu.dot_dimension_numbers<[1], [0], [0], [1], [0, 0, 1, 1], [], []>, transpose_lhs_hint = false} : vector<400x128xf32>, vector<128x128xf32>, vector<400x128xf32> -> vector<400x128xf32>
    %add3A_22 = arith.addf %add3A, %dot_general3A_21 : vector<400x128xf32>
    %swap3A = arith.constant 0 : index
    %swap3A_23 = arith.constant 0 : index
    %swap3A_24 = vector.load %arg5[%swap3A, %swap3A_23] : memref<400x128xf32, #tpu.memory_space<vmem>>, vector<400x128xf32>
    tpu.vector_store %arg5[%swap3A, %swap3A_23], %add3A_22 {strides = array<i32>} : memref<400x128xf32, #tpu.memory_space<vmem>>, vector<400x128xf32>,
    return
  }
  func.func @transform_0(%arg0: i32) -> (i32, i32) {
    %c0_i32 = arith.constant 0 : i32
    %c0_i32_0 = arith.constant 0 : i32
    return %arg0, %c0_i32 : i32, i32
  }
  func.func @transform_1(%arg0: i32) -> (i32, i32) {
    %c0_i32 = arith.constant 0 : i32
    %c0_i32_0 = arith.constant 0 : i32
    return %arg0, %c0_i32 : i32, i32
  }
  func.func @transform_2(%arg0: i32) -> (i32, i32) {
    %c0_i32 = arith.constant 0 : i32
    %c0_i32_0 = arith.constant 0 : i32
    return %arg0, %c0_i32 : i32, i32
  }
  func.func @transform_3(%arg0: i32) -> (i32, i32) {
    %c0_i32 = arith.constant 0 : i32
    %c0_i32_0 = arith.constant 0 : i32
    %c0_i32_1 = arith.constant 0 : i32
    return %c0_i32, %c0_i32_0 : i32, i32
  }
  func.func @transform_4(%arg0: i32) -> (i32, i32) {
    %c0_i32 = arith.constant 0 : i32
    %c0_i32_0 = arith.constant 0 : i32
    return %arg0, %c0_i32 : i32, i32
  }
}

</mosaic_0001>

<sc_bundles>
// kernel: kernel.4.cloned.1.call-start
scs
__scs_entry_jumppad:
0x0: {  	(pc) =	sbr.rel $0x88, $3  }
0x1: {  	(tag) =	ssettag $0x0;
	lr =	simm.s32 $0x1  }
0x2: {  	[smem:$0x3F9D] =	sst lr;
	_ =	strace $0xD0000000  }
0x3: {  	_ = 	snop  }
0x4: {  	_ = 	snop  }
0x5: {  	_ = 	snop  }
0x6: {  	_ = 	snop  }
0x7: {  	_ = 	snop  }
__scs_overlays_trampoline_lowered:
0x8: {  	[smem:$0x3FAC] =	sst s0  }
0x9: {  	[smem:$0x3FAD] =	sst s1  }
0xa: {  	[smem:$0x3FAE] =	sst s2  }
0xb: {  	[smem:$0x3FAF] =	sst s3  }
0xc: {  	[smem:$0x3FB0] =	sst s4  }
0xd: {  	[smem:$0x3FB1] =	sst s5  }
0xe: {  	[smem:$0x3FB2] =	sst s6  }
0xf: {  	[smem:$0x3FB3] =	sst s7  }
0x10: {  	[smem:$0x3FB4] =	sst s8  }
0x11: {  	[smem:$0x3FB5] =	sst s9;
	s0 =	simm.s32 @!p0 $0x0  }
0x12: {  	s1 =	sld [smem:$0x3F9B];
	s0 =	simm.s32 @p0 $0x1  }
0x13: {  	[smem:$0x3FB6] =	sst s0;
	s0 =	simm.s32 @!p1 $0x0  }
0x14: {  	s2 =	sld [smem:$0x3F9A];
	s0 =	simm.s32 @p1 $0x1  }
0x15: {  	[smem:$0x3FB7] =	sst s0;
	s0 =	simm.s32 @!p2 $0x0  }
0x16: {  	s3 =	sld [smem:$0x3FDB];
	s0 =	simm.s32 @p2 $0x1  }
0x17: {  	s4 =	simm.s32 $0x1BF5;
	[smem:$0x3FB9] =	sst s0  }
0x18: {  	s0 =	sld [smem:$0x3F9C];
	_ =	swait.ge [sflag:s4], $0x0  }
0x19: {  	s7 =	sld [smem:$0x3F9D]  }
0x1a: {  	s8 =	sadd.s32 $0xFFFFE003, lr  }
0x1b: {  	s9 =	sadd.s32 $0xFFFFFEF7, lr;
	s5 =	simm.s32 $0xFFFFFFFF;
	p2 =	slt.u32 s8, $0xFFFFF086  }
0x1c: {  	p1 =	slt.u32 s9, $0xF7A;
	s5 =	simm.s32 @!p2 $0x0  }
0x1d: {  	s5 =	simm.s32 @p1 $0x1;
	p0 =	seq.s32 s7, s2  }
0x1e: {  	s7 =	smul.u32 @!p0 $0xF7A, s2;
	p2 =	seq.s32 @!p0 s5, $0x0  }
0x1f: {  	s9 =	smul.u32 $0xF7A, s1;
	s8 =	simm.s32 @!p0 $0x1BF5;
	p2 =	por !p2, p0  }
0x20: {  	[sflag:s8] =	ssyncset.s32 @!p0 $0xFFFFF086;
	s6 =	sadd.s32 @!p0 s3, s7;
	s7 =	simm.s32 @!p0 $0x108  }
0x21: {  	s3 =	sadd.s32 s3, s9;
	s6 =	sadd.s32 @!p0 $0x88, s6;
	s7 =	simm.s32 @p2 $0x1082  }
0x22: {  	[simem:s7], [sflag:s8] =	dma.local @!p0 [hbm:s6], $0xF7A  }
0x23: {  	s9 =	sor.u32 $0xD0000000, s2;
	s6 =	simm.s32 $0x108;
	_ =	swait.ge @!p0 [sflag:s8], $0x0  }
0x24: {  	s3 =	sadd.s32 $0x88, s3;
	s6 =	simm.s32 @!p1 $0x1082;
	[sflag:s4] =	ssyncset.s32 $0xFFFFF086  }
0x25: {  	[simem:s6], [sflag:s4] =	dma.local [hbm:s3], $0xF7A  }
0x26: {  	[smem:$0x3F9D] =	sst s1;
	(tag) =	ssettag s2;
	_ =	strace s9  }
0x27: {  	s1 =	sld [smem:$0x3FAD]  }
0x28: {  	s2 =	sld [smem:$0x3FAE]  }
0x29: {  	s4 =	sld [smem:$0x3FB0]  }
0x2a: {  	p0 =	seq.s32 s5, $0x0;
	s5 =	sld [smem:$0x3FB1]  }
0x2b: {  	s6 =	sld [smem:$0x3FB2]  }
0x2c: {  	s7 =	sld [smem:$0x3FB3]  }
0x2d: {  	s3 =	simm.s32 $0x108;
	s8 =	sld [smem:$0x3FB4]  }
0x2e: {  	s3 =	simm.s32 @!p0 $0x1082;
	s9 =	sld [smem:$0x3FB5]  }
0x2f: {  	lr =	sadd.s32 s0, s3;
	s0 =	sld [smem:$0x3FAC]  }
0x30: {  	s3 =	sld [smem:$0x3FAF]  }
0x31: {  	[smem:$0x3FB8] =	sst s10  }
0x32: {  	s10 =	sld [smem:$0x3FB6];
	_ =	sdelay $0x3  }
0x33: {  	p0 =	seq.s32 s10, $0x1;
	s10 =	sld [smem:$0x3FB8];
	_ =	sdelay $0x3  }
0x34: {  	[smem:$0x3FB8] =	sst s10  }
0x35: {  	s10 =	sld [smem:$0x3FB7];
	_ =	sdelay $0x3  }
0x36: {  	p1 =	seq.s32 s10, $0x1;
	s10 =	sld [smem:$0x3FB8];
	_ =	sdelay $0x3  }
0x37: {  	[smem:$0x3FB8] =	sst s10  }
0x38: {  	s10 =	sld [smem:$0x3FB9]  }
0x39: {  	_ = 	snop;
	(pc) =	sbr.ind lr, $3  }
0x3a: {  	_ = 	snop  }
0x3b: {  	_ = 	snop  }
0x3c: {  	p2 =	seq.s32 s10, $0x1;
	s10 =	sld [smem:$0x3FB8]  }
0x3d: {  	_ =	shalt  }
0x3e: {  	_ =	shalt  }
0x3f: {  	_ =	shalt  }
0x40: {  	_ =	shalt  }
0x41: {  	_ =	shalt  }
0x42: {  	_ =	shalt  }
0x43: {  	_ =	shalt  }
0x44: {  	_ =	shalt  }
0x45: {  	_ =	shalt  }
0x46: {  	_ =	shalt  }
0x47: {  	_ =	shalt  }
0x48: {  	_ =	shalt  }
0x49: {  	_ =	shalt  }
0x4a: {  	_ =	shalt  }
0x4b: {  	_ =	shalt  }
0x4c: {  	_ =	shalt  }
0x4d: {  	_ =	shalt  }
0x4e: {  	_ =	shalt  }
0x4f: {  	_ =	shalt  }
0x50: {  	_ =	shalt  }
0x51: {  	_ =	shalt  }
0x52: {  	_ =	shalt  }
0x53: {  	_ =	shalt  }
0x54: {  	_ =	shalt  }
0x55: {  	_ =	shalt  }
0x56: {  	_ =	shalt  }
0x57: {  	_ =	shalt  }
0x58: {  	_ =	shalt  }
0x59: {  	_ =	shalt  }
0x5a: {  	_ =	shalt  }
0x5b: {  	_ =	shalt  }
0x5c: {  	_ =	shalt  }
0x5d: {  	_ =	shalt  }
0x5e: {  	_ =	shalt  }
0x5f: {  	_ =	shalt  }
0x60: {  	_ =	shalt  }
0x61: {  	_ =	shalt  }
0x62: {  	_ =	shalt  }
0x63: {  	_ =	shalt  }
0x64: {  	_ =	shalt  }
0x65: {  	_ =	shalt  }
0x66: {  	_ =	shalt  }
0x67: {  	_ =	shalt  }
0x68: {  	_ =	shalt  }
0x69: {  	_ =	shalt  }
0x6a: {  	_ =	shalt  }
0x6b: {  	_ =	shalt  }
0x6c: {  	_ =	shalt  }
0x6d: {  	_ =	shalt  }
0x6e: {  	_ =	shalt  }
0x6f: {  	_ =	shalt  }
0x70: {  	_ =	shalt  }
0x71: {  	_ =	shalt  }
0x72: {  	_ =	shalt  }
0x73: {  	_ =	shalt  }
0x74: {  	_ =	shalt  }
0x75: {  	_ =	shalt  }
0x76: {  	_ =	shalt  }
0x77: {  	_ =	shalt  }
0x78: {  	_ =	shalt  }
0x79: {  	_ =	shalt  }
0x7a: {  	_ =	shalt  }
0x7b: {  	_ =	shalt  }
0x7c: {  	_ =	shalt  }
0x7d: {  	_ =	shalt  }
0x7e: {  	_ =	shalt  }
0x7f: {  	_ =	shalt  }
0x80: {  	_ =	shalt  }
0x81: {  	_ =	shalt  }
0x82: {  	_ =	shalt  }
0x83: {  	_ =	shalt  }
0x84: {  	_ =	shalt  }
0x85: {  	_ =	shalt  }
0x86: {  	_ =	shalt  }
0x87: {  	_ =	shalt  }
.Lfunc_end0:
.L_simem_size_0:
called_computation_lowered:
.L_overlay_start_0:
0x88: {  	s2 =	sld [smem:$0x3FD9]  }
0x89: {  	s3 =	sld [smem:$0x3FFE];
	_ =	sdelay $0x1  }
0x8a: {  	s1 =	srdreg.scid  }
0x8b: {  	s0 =	sand.u32 $0x1, s1  }
0x8c: {  	s17 =	sshll.u32 s0, $0xA;
	s2 =	sadd.s32 s3, s2  }
0x8d: {  	s2 =	sadd.s32 s2, s17  }
0x8e: {  	[smem:$0x3FC4] =	sst s2  }
0x8f: {  	_ = 	snop  }
0x90: {  	s2 =	sld [smem:$0x3FC9];
	(tm) =	ssettm $0x1  }
0x91: {  	s18 =	sld [smem:$0x3FFB];
	_ =	sdelay $0x3  }
0x92: {  	_ =	strace s18  }
0x93: {  	s3 =	sld [smem:$0x3FFC];
	_ =	sdelay $0x3  }
0x94: {  	_ =	strace s3  }
0x95: {  	s3 =	sld [smem:$0x3FFD];
	_ =	sdelay $0x3  }
0x96: {  	_ =	strace s3  }
0x97: {  	_ =	strace $0x8FFFFFFF  }
0x98: {  	s19 =	sld [smem:$0x3FDB];
	_ =	sdelay $0x1  }
0x99: {  	s4 =	simm.s32 $_scs_section_size  }
0x9a: {  	s5 =	simm.s32 $_size__tile_overlayer_lowered;
	s6 =	simm.s32 $_tile_overlayer_lowered  }
0x9b: {  	s22 =	simm.s32 $0x1BFF;
	s21 =	sshll.u32 s6, $0x1;
	s3 =	sadd.s32 s4, s19  }
0x9c: {  	s7 =	simm.s32 $0x0;
	s20 =	sshll.u32 s5, $0x1;
	s5 =	sadd.s32 s21, s3  }
0x9d: {  	[timem:s7], [sflag:s22] =	dma.local [hbm:s5], s20  }
0x9e: {  	_ =	swait.ge [sflag:s22], s20  }
0x9f: {  	s4 =	ssub.s32 $0x0, s20;
	[sflag:s22] =	ssyncset.done $0x0  }
0xa0: {  	[sflag:s22] =	ssyncadd.s32 s4;
	_ =	sdelay $0x1  }
0xa1: {  	s23 =	simm.s32 $0x1B8B  }
0xa2: {  	_ =	swait.ge [sflag:s23], $0x1  }
0xa3: {  	[sflag:s23] =	ssyncset.done $0x0  }
0xa4: {  	s25 =	simm.s32 $0x1B8E;
	s24 =	sld [smem:$0x3FFE];
	[sflag:s23] =	ssyncadd.s32 $0xFFFFFFFF  }
0xa5: {  	s26 =	simm.s32 $execute0_lowered;
	[smem:$0x3FD2] =	sst s25  }
0xa6: {  	s5 =	sshll.u32 s26, $0x1;
	_ =	strace $0x80000046;
	[dreg:$0x1] =	wrdreg $0xFFFFFFFF  }
0xa7: {  	s28 =	simm.s32 $_size_execute0_lowered;
	s3 =	sadd.s32 s3, s5;
	[dreg:$0x0] =	wrdreg $0x0  }
0xa8: {  	s5 =	sshll.u32 s28, $0x1;
	[dreg:$0x2] =	wrdreg s3  }
0xa9: {  	[dreg:$0x3] =	wrdreg s5  }
0xaa: {  	[dreg:$0x4] =	wrdreg $0xC0  }
0xab: {  	_ =	task [dreg:s7], $0x5FFFF  }
0xac: {  	[dreg:$0x1] =	wrdreg $0xFFFFFFFF  }
0xad: {  	[dreg:$0x0] =	wrdreg $0x60  }
0xae: {  	[dreg:$0x2] =	wrdreg s2  }
0xaf: {  	[dreg:$0x3] =	wrdreg s24  }
0xb0: {  	[dreg:$0x4] =	wrdreg $0x60000  }
0xb1: {  	[dreg:$0x5] =	wrdreg $0x9  }
0xb2: {  	_ =	task.clear_ibuf [dreg:s7], $0x6FFFF;
	_ =	strace $0x90000046  }
0xb3: {  	s29 =	simm.s32 $0x9;
	_ =	strace $0x80000048  }
0xb4: {  	_ =	swait.ge [sflag:s29], $0x1  }
0xb5: {  	[sflag:s29] =	ssyncadd.s32 $0xFFFFFFFF  }
0xb6: {  	_ =	strace $0x90000048  }
0xb7: {  	_ =	sfence  }
0xb8: {  	s30 =	sld [smem:$0x0];
	_ =	sdelay $0x2  }
0xb9: {  	s31 =	sshll.u32 s1, $0xD;
	s1 =	sshrl.u32 s1, $0x2  }
0xba: {  	s3 =	sand.u32 $0x4000, s31;
	s1 =	sadd.s32 s1, s30  }
0xbb: {  	s0 =	sor.u32 s3, s0;
	s1 =	sshll.u32 s1, $0x11  }
0xbc: {  	s0 =	sor.u32 s1, s0  }
0xbd: {  	s0 =	sadd.s32 $0x8F2B, s0  }
0xbe: {  	[sflag:s0] =	ssyncadd.remote.s32 $0x1  }
0xbf: {  	_ =	sfence.sel $0xFFFF  }
0xc0: {  	[dreg:$0x0] =	wrdreg $0xFFFFFFFF;
	(pc) =	sbr.abs _section_cstart, $3  }
0xc1: {  	[dreg:$0x1] =	wrdreg $0xFFFFFFFF  }
0xc2: {  	_ =	task.clear_ibuf [dreg:s7], $0x2FFFF;
	_ =	strace $0x9FFFFFFF  }
0xc3: {  	(tm) =	ssettm $0x7FFFFFFF  }
tec
execute0_lowered:
.L_overlay_start_1:
0x0: {  	(tag) =	ssettag $0x1  }
0x1: {  	s20 =	stileid.u32  }
0x2: {  	s1 =	rddreg [dreg:$0x0];
	s7 =	smul.u32 $0xA000, s20  }
0x3: {  	s4 =	rddreg [dreg:$0x1];
	s8 =	sor.u32 $0x10, s20;
	s23 =	smul.u32 $0xC800, s20  }
0x4: {  	s2 =	rddreg [dreg:$0x2];
	s10 =	sor.u32 $0x20, s20;
	s9 =	smul.u32 $0xA000, s8  }
0x5: {  	s3 =	simm.s32 $0x0;
	s13 =	sor.u32 $0x30, s20;
	s12 =	smul.u32 $0xA000, s10  }
0x6: {  	s5 =	srdreg.scid;
	s14 =	sor.u32 $0x40, s20;
	s24 =	smul.u32 $0xA000, s13  }
0x7: {  	s28 =	simm.s32 $0x1;
	s16 =	sor.u32 $0x50, s20;
	s15 =	smul.u32 $0xA000, s14  }
0x8: {  	s29 =	simm.s32 $0x2;
	s17 =	sor.u32 $0x60, s20;
	s25 =	smul.u32 $0xA000, s16  }
0x9: {  	s30 =	simm.s32 $0x3;
	s6 =	sand.u32 $0x1, s5;
	s18 =	smul.u32 $0xA000, s17  }
0xa: {  	s31 =	simm.s32 $0x4;
	[smem:$0x7FF] =	sst s3;
	s21 =	smul.u32 $0x190000, s6  }
0xb: {  	s0 =	sadd.s32 $0x1200, s4;
	s5 =	ssub.s32 $0x2, s6;
	s6 =	smul.u32 $0x138800, s6  }
0xc: {  	s4 =	sadd.s32 $0x65200, s4;
	s19 =	sor.u32 $0x70, s20;
	s8 =	smul.u32 $0x2800, s8  }
0xd: {  	p0 =	sgt.u32 s20, $0xC;
	_ =	strace $0x80000047;
	s10 =	smul.u32 $0x2800, s10  }
0xe: {  	s13 =	smul.u32 $0x2800, s13;
	s11 =	sshrl.u32 s5, $0x1;
	s7 =	sshrl.u32 s7, $0x2  }
0xf: {  	s5 =	ssub.s32 s5, s11;
	s7 =	sadd.s32 s7, s2;
	s9 =	sshrl.u32 s9, $0x2  }
0x10: {  	s26 =	sshrl.u32 s12, $0x2;
	s12 =	smul.u32 $0xA000, s19;
	s11 =	sshrl.u32 s24, $0x2  }
0x11: {  	s22 =	sshrl.u32 s15, $0x2;
	s24 =	sshrl.u32 s18, $0x2;
	s15 =	smul.u32 $0x2800, s17  }
0x12: {  	[dreg:$0x9] =	wrdreg s7;
	s9 =	sadd.s32 s9, s2;
	s7 =	sshrl.u32 s25, $0x2  }
0x13: {  	s25 =	smul.u32 $0x2800, s20;
	s5 =	smax.u32 s5, $0x1;
	s20 =	simm.s32 $0xB00  }
0x14: {  	[dreg:$0xa] =	wrdreg s9;
	s9 =	sadd.s32 s26, s2;
	s7 =	sadd.s32 s7, s2  }
0x15: {  	s26 =	sadd.s32 s24, s2;
	s18 =	sshrl.u32 s12, $0x2;
	s24 =	sadd.s32 s6, s13  }
0x16: {  	[dreg:$0x19] =	wrdreg s5;
	s13 =	simm.s32 $0x980;
	s5 =	simm.s32 $0x400  }
0x17: {  	[dreg:$0xb] =	wrdreg s9;
	s9 =	sadd.s32 s11, s2;
	s11 =	sadd.s32 s23, s21  }
0x18: {  	[dreg:$0xe] =	wrdreg s7;
	s21 =	sadd.s32 s25, s6;
	s25 =	smul.u32 $0x2800, s14  }
0x19: {  	[dreg:$0xf] =	wrdreg s26;
	s7 =	sadd.s32 s6, s8;
	s26 =	smul.u32 $0x2800, s16  }
0x1a: {  	s12 =	sadd.s32 s18, s2;
	s23 =	sadd.s32 s6, s10;
	s16 =	smul.u32 $0x2800, s19  }
0x1b: {  	s18 =	sadd.s32 s6, s15;
	s15 =	simm.s32 $0x280;
	[dreg:$0xc] =	wrdreg s9  }
0x1c: {  	s9 =	sadd.s32 s22, s2;
	s7 =	sshrl.u32 s7, $0x3;
	s8 =	sshrl.u32 s23, $0x3  }
0x1d: {  	s19 =	sadd.s32 $0xC8000, s11;
	s23 =	sshrl.u32 s11, $0x3;
	[dreg:$0x10] =	wrdreg s12  }
0x1e: {  	s11 =	simm.s32 $0x0;
	[dreg:$0xd] =	wrdreg s9;
	s9 =	sshrl.u32 s21, $0x3  }
0x1f: {  	s7 =	sadd.s32 s4, s7;
	s8 =	sadd.s32 s4, s8;
	s10 =	sadd.s32 s6, s25  }
0x20: {  	s14 =	sadd.s32 s6, s26;
	s6 =	sadd.s32 s6, s16;
	s21 =	sshrl.u32 s19, $0x3  }
0x21: {  	s25 =	simm.s32 $0x880;
	s26 =	simm.s32 $0x100;
	s16 =	simm.s32 $0xA00  }
0x22: {  	s19 =	simm.s32 $0x380;
	s22 =	sadd.s32 s4, s9;
	[dreg:$0x12] =	wrdreg s7  }
0x23: {  	s9 =	sshrl.u32 s24, $0x3;
	[dreg:$0x13] =	wrdreg s8;
	s7 =	sshrl.u32 s10, $0x3  }
0x24: {  	s8 =	sshrl.u32 s14, $0x3;
	s6 =	sshrl.u32 s6, $0x3;
	[dreg:$0x7] =	wrdreg s25  }
0x25: {  	s24 =	simm.s32 $0x80;
	[dreg:$0x8] =	wrdreg s26;
	s25 =	simm.s32 $0x50  }
0x26: {  	s26 =	simm.s32 $0x3800;
	s14 =	simm.s32 $0x200;
	[dreg:$0x11] =	wrdreg s22  }
0x27: {  	s9 =	sadd.s32 s4, s9;
	s7 =	sadd.s32 s4, s7;
	[dreg:$0x6] =	wrdreg s24  }
0x28: {  	s17 =	sadd.s32 s4, s8;
	s22 =	sadd.s32 s21, s0;
	[dreg:$0x14] =	wrdreg s9  }
0x29: {  	s0 =	sadd.s32 s23, s0;
	s23 =	simm.s32 $0x5;
	[dreg:$0x15] =	wrdreg s7  }
0x2a: {  	s24 =	simm.s32 $0x800;
	s21 =	simm.s32 $0xB80;
	[dreg:$0x16] =	wrdreg s17  }
0x2b: {  	s8 =	simm.s32 $0xC80;
	s7 =	sshrl.u32 s18, $0x3;
	[dreg:$0x4] =	wrdreg s22  }
0x2c: {  	[dreg:$0x5] =	wrdreg s0;
	s22 =	simm.s32 $0x1000;
	s0 =	simm.s32 $0x180  }
0x2d: {  	s17 =	simm.s32 $0xA80;
	s18 =	simm.s32 $0x300;
	s7 =	sadd.s32 s4, s7  }
0x2e: {  	s4 =	sadd.s32 s4, s6;
	s6 =	simm.s32 $0x480;
	[dreg:$0x17] =	wrdreg s7  }
0x2f: {  	v0 =	vimm.f32 $0.0e+00;
	[dreg:$0x18] =	wrdreg s4;
	s4 =	simm.s32 $0x900;
	s7 =	simm.s32 $0xC00  }
.LBB2_1:
0x30: {  	[dreg:$0x1a] =	wrdreg s11;
	s10 =	simm.s32 $0x70;
	s11 =	simm.s32 $0x3C0  }
.LBB2_2:
0x31: {  	p1 =	sne.s32 s11, $0x9FC0;
	[tilespmem:s10+$0x1000] =	vst v0  }
0x32: {  	[tilespmem:s10+$0xF90] =	vst v0  }
0x33: {  	[tilespmem:s10+$0xFA0] =	vst v0  }
.Ltmp0:
0x34: {  	[tilespmem:s10+$0xFB0] =	vst v0;
	(pc) =	sbr.rel @p1 .LBB2_2-.Ltmp0, $4  }
0x35: {  	[tilespmem:s10+$0xFC0] =	vst v0  }
0x36: {  	[tilespmem:s10+$0xFD0] =	vst v0  }
0x37: {  	[tilespmem:s10+$0xFE0] =	vst v0  }
0x38: {  	[tilespmem:s10+$0xFF0] =	vst v0;
	s10 =	sshra.s32 s11, $0x2;
	s11 =	sadd.s32 $0x200, s11  }
0x39: {  	[tilespmem:s10+$0x1000] =	vst v0  }
0x3a: {  	[tilespmem:s10+$0xF90] =	vst v0  }
0x3b: {  	[tilespmem:s10+$0xFA0] =	vst v0  }
0x3c: {  	[tilespmem:s10+$0xFB0] =	vst v0  }
0x3d: {  	[tilespmem:s10+$0xFC0] =	vst v0  }
0x3e: {  	[tilespmem:s10+$0xFD0] =	vst v0  }
0x3f: {  	[tilespmem:s10+$0xFE0] =	vst v0  }
0x40: {  	[tilespmem:s10+$0xFF0] =	vst v0;
	s9 =	rddreg [dreg:$0x9]  }
0x41: {  	[spmem:s9] =	stream.linear.scatter [tilespmem:s22], [sflag:$0x5], $0x2800, $0x38;
	[tilespmem:$0x19880] =	vst v63  }
0x42: {  	_ =	swait.ge [sflag:s23], $0x2800  }
0x43: {  	[sflag:s23] =	ssyncset.done $0x0  }
0x44: {  	s11 =	rddreg [dreg:$0xa];
	[sflag:s23] =	ssyncadd.s32 $0xFFFFD800  }
0x45: {  	[spmem:s11] =	stream.linear.scatter [tilespmem:s22], [sflag:$0x5], $0x2800, $0x38;
	[tilespmem:$0x19880] =	vst v63  }
0x46: {  	_ =	swait.ge [sflag:s23], $0x2800  }
0x47: {  	[sflag:s23] =	ssyncset.done $0x0  }
0x48: {  	s9 =	rddreg [dreg:$0xb];
	[sflag:s23] =	ssyncadd.s32 $0xFFFFD800  }
0x49: {  	[spmem:s9] =	stream.linear.scatter [tilespmem:s22], [sflag:$0x5], $0x2800, $0x38;
	[tilespmem:$0x19880] =	vst v63  }
0x4a: {  	_ =	swait.ge [sflag:s23], $0x2800  }
0x4b: {  	[sflag:s23] =	ssyncset.done $0x0  }
0x4c: {  	s11 =	rddreg [dreg:$0xc];
	[sflag:s23] =	ssyncadd.s32 $0xFFFFD800  }
0x4d: {  	[spmem:s11] =	stream.linear.scatter [tilespmem:s22], [sflag:$0x5], $0x2800, $0x38;
	[tilespmem:$0x19880] =	vst v63  }
0x4e: {  	_ =	swait.ge [sflag:s23], $0x2800  }
0x4f: {  	[sflag:s23] =	ssyncset.done $0x0  }
0x50: {  	s9 =	rddreg [dreg:$0xd];
	[sflag:s23] =	ssyncadd.s32 $0xFFFFD800  }
0x51: {  	[spmem:s9] =	stream.linear.scatter [tilespmem:s22], [sflag:$0x5], $0x2800, $0x38;
	[tilespmem:$0x19880] =	vst v63  }
0x52: {  	_ =	swait.ge [sflag:s23], $0x2800  }
0x53: {  	[sflag:s23] =	ssyncset.done $0x0  }
0x54: {  	s11 =	rddreg [dreg:$0xe];
	[sflag:s23] =	ssyncadd.s32 $0xFFFFD800  }
0x55: {  	[spmem:s11] =	stream.linear.scatter [tilespmem:s22], [sflag:$0x5], $0x2800, $0x38;
	[tilespmem:$0x19880] =	vst v63  }
0x56: {  	_ =	swait.ge [sflag:s23], $0x2800  }
0x57: {  	[sflag:s23] =	ssyncset.done $0x0  }
0x58: {  	s9 =	rddreg [dreg:$0xf];
	[sflag:s23] =	ssyncadd.s32 $0xFFFFD800  }
0x59: {  	[spmem:s9] =	stream.linear.scatter [tilespmem:s22], [sflag:$0x5], $0x2800, $0x38;
	[tilespmem:$0x19880] =	vst v63  }
0x5a: {  	_ =	swait.ge [sflag:s23], $0x2800  }
0x5b: {  	[sflag:s23] =	ssyncset.done $0x0  }
0x5c: {  	s10 =	simm.s32 @!p0 $0x1000;
	[sflag:s23] =	ssyncadd.s32 $0xFFFFD800  }
0x5d: {  	[spmem:s12] =	stream.linear.scatter @!p0 [tilespmem:s10], [sflag:$0x5], $0x2800, $0x38;
	[tilespmem:$0x19880] =	vst v63  }
0x5e: {  	s10 =	simm.s32 @!p0 $0x5  }
0x5f: {  	_ =	swait.ge @!p0 [sflag:s10], $0x2800  }
0x60: {  	[sflag:s10] =	ssyncset.done @!p0 $0x0  }
0x61: {  	[sflag:s10] =	ssyncadd.s32 @!p0 $0xFFFFD800  }
0x62: {  	[bflag:$0x0] =	sbarrier.arrive $0xFFFF  }
0x63: {  	s11 =	rddreg [dreg:$0x5]  }
0x64: {  	s10 =	sadd.s32 $0x0, s11  }
0x65: {  	[tilespmem:s3], [sflag:$0x5] =	stream.linear.gather [hbm4b:s10+s3], $0x500, $0x38;
	[tilespmem:$0x19880] =	vst v63  }
0x66: {  	_ =	swait.ge [sflag:s23], $0x500  }
0x67: {  	s12 =	rddreg [dreg:$0x4];
	[sflag:s23] =	ssyncset.done $0x0  }
0x68: {  	[sflag:s23] =	ssyncadd.s32 $0xFFFFFB00;
	s10 =	sadd.s32 $0x0, s12  }
0x69: {  	[tilespmem:s24], [sflag:$0x5] =	stream.linear.gather [hbm4b:s10+s3], $0x500, $0x38;
	[tilespmem:$0x19880] =	vst v63  }
0x6a: {  	_ =	swait.ge [sflag:s23], $0x500  }
0x6b: {  	[sflag:s23] =	ssyncset.done $0x0  }
0x6c: {  	[sflag:s23] =	ssyncadd.s32 $0xFFFFFB00  }
0x6d: {  	[tilespmem:s22], [sflag:$0x1] =	stream.indirect.gather [hbm4b:s1+s25], $0x80, s3, s25, $0xb8;
	[tilespmem:$0x19880] =	vst v63  }
0x6e: {  	s9 =	rddreg [dreg:$0x6]  }
0x6f: {  	[tilespmem:s26], [sflag:$0x2] =	stream.indirect.gather [hbm4b:s1+s25], $0x80, s9, s25, $0xb8;
	[tilespmem:$0x19880] =	vst v63  }
0x70: {  	_ =	swait.ge [sflag:s28], $0x2800  }
0x71: {  	[sflag:s28] =	ssyncset.done $0x0  }
0x72: {  	[sflag:s28] =	ssyncadd.s32 $0xFFFFD800  }
0x73: {  	[spmem:s2] =	stream.indirect.scatter.add.f32 [tilespmem:s22], [sflag:$0x3], $0x80, s24, s25, $0xb8;
	[tilespmem:$0x19880] =	vst v63  }
0x74: {  	_ =	swait.ge [sflag:s29], $0x2800  }
0x75: {  	[sflag:s29] =	ssyncset.done $0x0  }
0x76: {  	s11 =	rddreg [dreg:$0x7];
	[sflag:s29] =	ssyncadd.s32 $0xFFFFD800  }
0x77: {  	[spmem:s2] =	stream.indirect.scatter.add.f32 [tilespmem:s26], [sflag:$0x4], $0x80, s11, s25, $0xb8;
	[tilespmem:$0x19880] =	vst v63  }
0x78: {  	_ =	swait.ge [sflag:s30], $0x2800  }
0x79: {  	[sflag:s30] =	ssyncset.done $0x0  }
0x7a: {  	s12 =	rddreg [dreg:$0x8];
	[sflag:s30] =	ssyncadd.s32 $0xFFFFD800  }
0x7b: {  	[tilespmem:s22], [sflag:$0x1] =	stream.indirect.gather [hbm4b:s1+s25], $0x80, s12, s25, $0xb8;
	[tilespmem:$0x19880] =	vst v63  }
0x7c: {  	_ =	swait.ge [sflag:s31], $0x2800  }
0x7d: {  	[sflag:s31] =	ssyncset.done $0x0  }
0x7e: {  	[sflag:s31] =	ssyncadd.s32 $0xFFFFD800  }
0x7f: {  	[tilespmem:s26], [sflag:$0x2] =	stream.indirect.gather [hbm4b:s1+s25], $0x80, s0, s25, $0xb8;
	[tilespmem:$0x19880] =	vst v63  }
0x80: {  	_ =	swait.ge [sflag:s28], $0x2800  }
0x81: {  	[sflag:s28] =	ssyncset.done $0x0  }
0x82: {  	[sflag:s28] =	ssyncadd.s32 $0xFFFFD800  }
0x83: {  	[spmem:s2] =	stream.indirect.scatter.add.f32 [tilespmem:s22], [sflag:$0x3], $0x80, s4, s25, $0xb8;
	[tilespmem:$0x19880] =	vst v63  }
0x84: {  	_ =	swait.ge [sflag:s29], $0x2800  }
0x85: {  	[sflag:s29] =	ssyncset.done $0x0  }
0x86: {  	[sflag:s29] =	ssyncadd.s32 $0xFFFFD800  }
0x87: {  	[spmem:s2] =	stream.indirect.scatter.add.f32 [tilespmem:s26], [sflag:$0x4], $0x80, s13, s25, $0xb8;
	[tilespmem:$0x19880] =	vst v63  }
0x88: {  	_ =	swait.ge [sflag:s30], $0x2800  }
0x89: {  	[sflag:s30] =	ssyncset.done $0x0  }
0x8a: {  	[sflag:s30] =	ssyncadd.s32 $0xFFFFD800  }
0x8b: {  	[tilespmem:s22], [sflag:$0x1] =	stream.indirect.gather [hbm4b:s1+s25], $0x80, s14, s25, $0xb8;
	[tilespmem:$0x19880] =	vst v63  }
0x8c: {  	_ =	swait.ge [sflag:s31], $0x2800  }
0x8d: {  	[sflag:s31] =	ssyncset.done $0x0  }
0x8e: {  	[sflag:s31] =	ssyncadd.s32 $0xFFFFD800  }
0x8f: {  	[tilespmem:s26], [sflag:$0x2] =	stream.indirect.gather [hbm4b:s1+s25], $0x80, s15, s25, $0xb8;
	[tilespmem:$0x19880] =	vst v63  }
0x90: {  	_ =	swait.ge [sflag:s28], $0x2800  }
0x91: {  	[sflag:s28] =	ssyncset.done $0x0  }
0x92: {  	[sflag:s28] =	ssyncadd.s32 $0xFFFFD800  }
0x93: {  	[spmem:s2] =	stream.indirect.scatter.add.f32 [tilespmem:s22], [sflag:$0x3], $0x80, s16, s25, $0xb8;
	[tilespmem:$0x19880] =	vst v63  }
0x94: {  	_ =	swait.ge [sflag:s29], $0x2800  }
0x95: {  	[sflag:s29] =	ssyncset.done $0x0  }
0x96: {  	[sflag:s29] =	ssyncadd.s32 $0xFFFFD800  }
0x97: {  	[spmem:s2] =	stream.indirect.scatter.add.f32 [tilespmem:s26], [sflag:$0x4], $0x80, s17, s25, $0xb8;
	[tilespmem:$0x19880] =	vst v63  }
0x98: {  	_ =	swait.ge [sflag:s30], $0x2800  }
0x99: {  	[sflag:s30] =	ssyncset.done $0x0  }
0x9a: {  	[sflag:s30] =	ssyncadd.s32 $0xFFFFD800  }
0x9b: {  	[tilespmem:s22], [sflag:$0x1] =	stream.indirect.gather [hbm4b:s1+s25], $0x80, s18, s25, $0xb8;
	[tilespmem:$0x19880] =	vst v63  }
0x9c: {  	_ =	swait.ge [sflag:s31], $0x2800  }
0x9d: {  	[sflag:s31] =	ssyncset.done $0x0  }
0x9e: {  	[sflag:s31] =	ssyncadd.s32 $0xFFFFD800  }
0x9f: {  	[tilespmem:s26], [sflag:$0x2] =	stream.indirect.gather [hbm4b:s1+s25], $0x80, s19, s25, $0xb8;
	[tilespmem:$0x19880] =	vst v63  }
0xa0: {  	_ =	swait.ge [sflag:s28], $0x2800  }
0xa1: {  	[sflag:s28] =	ssyncset.done $0x0  }
0xa2: {  	[sflag:s28] =	ssyncadd.s32 $0xFFFFD800  }
0xa3: {  	[spmem:s2] =	stream.indirect.scatter.add.f32 [tilespmem:s22], [sflag:$0x3], $0x80, s20, s25, $0xb8;
	[tilespmem:$0x19880] =	vst v63  }
0xa4: {  	_ =	swait.ge [sflag:s29], $0x2800  }
0xa5: {  	[sflag:s29] =	ssyncset.done $0x0  }
0xa6: {  	[sflag:s29] =	ssyncadd.s32 $0xFFFFD800  }
0xa7: {  	[spmem:s2] =	stream.indirect.scatter.add.f32 [tilespmem:s26], [sflag:$0x4], $0x80, s21, s25, $0xb8;
	[tilespmem:$0x19880] =	vst v63  }
0xa8: {  	_ =	swait.ge [sflag:s30], $0x2800  }
0xa9: {  	[sflag:s30] =	ssyncset.done $0x0  }
0xaa: {  	[sflag:s30] =	ssyncadd.s32 $0xFFFFD800  }
0xab: {  	[tilespmem:s22], [sflag:$0x1] =	stream.indirect.gather [hbm4b:s1+s25], $0x80, s5, s25, $0xb8;
	[tilespmem:$0x19880] =	vst v63  }
0xac: {  	_ =	swait.ge [sflag:s31], $0x2800  }
0xad: {  	[sflag:s31] =	ssyncset.done $0x0  }
0xae: {  	[sflag:s31] =	ssyncadd.s32 $0xFFFFD800  }
0xaf: {  	[tilespmem:s26], [sflag:$0x2] =	stream.indirect.gather [hbm4b:s1+s25], $0x80, s6, s25, $0xb8;
	[tilespmem:$0x19880] =	vst v63  }
0xb0: {  	_ =	swait.ge [sflag:s28], $0x2800  }
0xb1: {  	[sflag:s28] =	ssyncset.done $0x0  }
0xb2: {  	[sflag:s28] =	ssyncadd.s32 $0xFFFFD800  }
0xb3: {  	[spmem:s2] =	stream.indirect.scatter.add.f32 [tilespmem:s22], [sflag:$0x3], $0x80, s7, s25, $0xb8;
	[tilespmem:$0x19880] =	vst v63  }
0xb4: {  	_ =	swait.ge [sflag:s29], $0x2800  }
0xb5: {  	[sflag:s29] =	ssyncset.done $0x0  }
0xb6: {  	[sflag:s29] =	ssyncadd.s32 $0xFFFFD800  }
0xb7: {  	_ =	swait.ge [sflag:s30], $0x2800  }
0xb8: {  	[sflag:s30] =	ssyncset.done $0x0  }
0xb9: {  	[sflag:s30] =	ssyncadd.s32 $0xFFFFD800  }
0xba: {  	[spmem:s2] =	stream.indirect.scatter.add.f32 [tilespmem:s26], [sflag:$0x5], $0x80, s8, s25, $0xb8;
	[tilespmem:$0x19880] =	vst v63  }
0xbb: {  	s10 =	simm.s32 $0x100;
	_ =	swait.ge [sflag:s23], $0x2800  }
.LBB2_4:
0xbc: {  	s11 =	rddreg [dreg:$0x5];
	s12 =	smov.u32 s10;
	[sflag:s23] =	ssyncset.done $0x0  }
0xbd: {  	s11 =	sadd.s32 s12, s11;
	[sflag:s23] =	ssyncadd.s32 $0xFFFFD800  }
0xbe: {  	[tilespmem:s3], [sflag:$0x5] =	stream.linear.gather [hbm4b:s11+s3], $0x500, $0x38;
	[tilespmem:$0x19880] =	vst v63  }
0xbf: {  	_ =	swait.ge [sflag:s23], $0x500  }
0xc0: {  	s9 =	rddreg [dreg:$0x4];
	[sflag:s23] =	ssyncset.done $0x0  }
0xc1: {  	[sflag:s23] =	ssyncadd.s32 $0xFFFFFB00;
	s11 =	sadd.s32 s12, s9  }
0xc2: {  	[tilespmem:s24], [sflag:$0x5] =	stream.linear.gather [hbm4b:s11+s3], $0x500, $0x38;
	[tilespmem:$0x19880] =	vst v63  }
0xc3: {  	_ =	swait.ge [sflag:s23], $0x500  }
0xc4: {  	[sflag:s23] =	ssyncset.done $0x0  }
0xc5: {  	[sflag:s23] =	ssyncadd.s32 $0xFFFFFB00  }
0xc6: {  	[tilespmem:s22], [sflag:$0x1] =	stream.indirect.gather [hbm4b:s1+s25], $0x80, s3, s25, $0xb8;
	[tilespmem:$0x19880] =	vst v63  }
0xc7: {  	s12 =	rddreg [dreg:$0x6]  }
0xc8: {  	[tilespmem:s26], [sflag:$0x2] =	stream.indirect.gather [hbm4b:s1+s25], $0x80, s12, s25, $0xb8;
	[tilespmem:$0x19880] =	vst v63  }
0xc9: {  	_ =	swait.ge [sflag:s28], $0x2800  }
0xca: {  	[sflag:s28] =	ssyncset.done $0x0  }
0xcb: {  	[sflag:s28] =	ssyncadd.s32 $0xFFFFD800  }
0xcc: {  	[spmem:s2] =	stream.indirect.scatter.add.f32 [tilespmem:s22], [sflag:$0x3], $0x80, s24, s25, $0xb8;
	[tilespmem:$0x19880] =	vst v63  }
0xcd: {  	_ =	swait.ge [sflag:s29], $0x2800  }
0xce: {  	[sflag:s29] =	ssyncset.done $0x0  }
0xcf: {  	s9 =	rddreg [dreg:$0x7];
	[sflag:s29] =	ssyncadd.s32 $0xFFFFD800  }
0xd0: {  	[spmem:s2] =	stream.indirect.scatter.add.f32 [tilespmem:s26], [sflag:$0x4], $0x80, s9, s25, $0xb8;
	[tilespmem:$0x19880] =	vst v63  }
0xd1: {  	_ =	swait.ge [sflag:s30], $0x2800  }
0xd2: {  	[sflag:s30] =	ssyncset.done $0x0  }
0xd3: {  	s12 =	rddreg [dreg:$0x8];
	[sflag:s30] =	ssyncadd.s32 $0xFFFFD800  }
0xd4: {  	[tilespmem:s22], [sflag:$0x1] =	stream.indirect.gather [hbm4b:s1+s25], $0x80, s12, s25, $0xb8;
	[tilespmem:$0x19880] =	vst v63  }
0xd5: {  	_ =	swait.ge [sflag:s31], $0x2800  }
0xd6: {  	[sflag:s31] =	ssyncset.done $0x0  }
0xd7: {  	[sflag:s31] =	ssyncadd.s32 $0xFFFFD800  }
0xd8: {  	[tilespmem:s26], [sflag:$0x2] =	stream.indirect.gather [hbm4b:s1+s25], $0x80, s0, s25, $0xb8;
	[tilespmem:$0x19880] =	vst v63  }
0xd9: {  	_ =	swait.ge [sflag:s28], $0x2800  }
0xda: {  	[sflag:s28] =	ssyncset.done $0x0  }
0xdb: {  	[sflag:s28] =	ssyncadd.s32 $0xFFFFD800  }
0xdc: {  	[spmem:s2] =	stream.indirect.scatter.add.f32 [tilespmem:s22], [sflag:$0x3], $0x80, s4, s25, $0xb8;
	[tilespmem:$0x19880] =	vst v63  }
0xdd: {  	_ =	swait.ge [sflag:s29], $0x2800  }
0xde: {  	[sflag:s29] =	ssyncset.done $0x0  }
0xdf: {  	[sflag:s29] =	ssyncadd.s32 $0xFFFFD800  }
0xe0: {  	[spmem:s2] =	stream.indirect.scatter.add.f32 [tilespmem:s26], [sflag:$0x4], $0x80, s13, s25, $0xb8;
	[tilespmem:$0x19880] =	vst v63  }
0xe1: {  	_ =	swait.ge [sflag:s30], $0x2800  }
0xe2: {  	[sflag:s30] =	ssyncset.done $0x0  }
0xe3: {  	[sflag:s30] =	ssyncadd.s32 $0xFFFFD800  }
0xe4: {  	[tilespmem:s22], [sflag:$0x1] =	stream.indirect.gather [hbm4b:s1+s25], $0x80, s14, s25, $0xb8;
	[tilespmem:$0x19880] =	vst v63  }
0xe5: {  	_ =	swait.ge [sflag:s31], $0x2800  }
0xe6: {  	[sflag:s31] =	ssyncset.done $0x0  }
0xe7: {  	[sflag:s31] =	ssyncadd.s32 $0xFFFFD800  }
0xe8: {  	[tilespmem:s26], [sflag:$0x2] =	stream.indirect.gather [hbm4b:s1+s25], $0x80, s15, s25, $0xb8;
	[tilespmem:$0x19880] =	vst v63  }
0xe9: {  	_ =	swait.ge [sflag:s28], $0x2800  }
0xea: {  	[sflag:s28] =	ssyncset.done $0x0  }
0xeb: {  	[sflag:s28] =	ssyncadd.s32 $0xFFFFD800  }
0xec: {  	[spmem:s2] =	stream.indirect.scatter.add.f32 [tilespmem:s22], [sflag:$0x3], $0x80, s16, s25, $0xb8;
	[tilespmem:$0x19880] =	vst v63  }
0xed: {  	_ =	swait.ge [sflag:s29], $0x2800  }
0xee: {  	[sflag:s29] =	ssyncset.done $0x0  }
0xef: {  	[sflag:s29] =	ssyncadd.s32 $0xFFFFD800  }
0xf0: {  	[spmem:s2] =	stream.indirect.scatter.add.f32 [tilespmem:s26], [sflag:$0x4], $0x80, s17, s25, $0xb8;
	[tilespmem:$0x19880] =	vst v63  }
0xf1: {  	_ =	swait.ge [sflag:s30], $0x2800  }
0xf2: {  	[sflag:s30] =	ssyncset.done $0x0  }
0xf3: {  	[sflag:s30] =	ssyncadd.s32 $0xFFFFD800  }
0xf4: {  	[tilespmem:s22], [sflag:$0x1] =	stream.indirect.gather [hbm4b:s1+s25], $0x80, s18, s25, $0xb8;
	[tilespmem:$0x19880] =	vst v63  }
0xf5: {  	_ =	swait.ge [sflag:s31], $0x2800  }
0xf6: {  	[sflag:s31] =	ssyncset.done $0x0  }
0xf7: {  	[sflag:s31] =	ssyncadd.s32 $0xFFFFD800  }
0xf8: {  	[tilespmem:s26], [sflag:$0x2] =	stream.indirect.gather [hbm4b:s1+s25], $0x80, s19, s25, $0xb8;
	[tilespmem:$0x19880] =	vst v63  }
0xf9: {  	_ =	swait.ge [sflag:s28], $0x2800  }
0xfa: {  	[sflag:s28] =	ssyncset.done $0x0  }
0xfb: {  	[sflag:s28] =	ssyncadd.s32 $0xFFFFD800  }
0xfc: {  	[spmem:s2] =	stream.indirect.scatter.add.f32 [tilespmem:s22], [sflag:$0x3], $0x80, s20, s25, $0xb8;
	[tilespmem:$0x19880] =	vst v63  }
0xfd: {  	_ =	swait.ge [sflag:s29], $0x2800  }
0xfe: {  	[sflag:s29] =	ssyncset.done $0x0  }
0xff: {  	[sflag:s29] =	ssyncadd.s32 $0xFFFFD800  }
0x100: {  	[spmem:s2] =	stream.indirect.scatter.add.f32 [tilespmem:s26], [sflag:$0x4], $0x80, s21, s25, $0xb8;
	[tilespmem:$0x19880] =	vst v63  }
0x101: {  	_ =	swait.ge [sflag:s30], $0x2800  }
0x102: {  	[sflag:s30] =	ssyncset.done $0x0  }
0x103: {  	[sflag:s30] =	ssyncadd.s32 $0xFFFFD800  }
0x104: {  	[tilespmem:s22], [sflag:$0x1] =	stream.indirect.gather [hbm4b:s1+s25], $0x80, s5, s25, $0xb8;
	[tilespmem:$0x19880] =	vst v63  }
0x105: {  	_ =	swait.ge [sflag:s31], $0x2800  }
0x106: {  	[sflag:s31] =	ssyncset.done $0x0  }
0x107: {  	[sflag:s31] =	ssyncadd.s32 $0xFFFFD800  }
0x108: {  	[tilespmem:s26], [sflag:$0x2] =	stream.indirect.gather [hbm4b:s1+s25], $0x80, s6, s25, $0xb8;
	[tilespmem:$0x19880] =	vst v63  }
0x109: {  	_ =	swait.ge [sflag:s28], $0x2800  }
0x10a: {  	[sflag:s28] =	ssyncset.done $0x0  }
0x10b: {  	[sflag:s28] =	ssyncadd.s32 $0xFFFFD800  }
0x10c: {  	[spmem:s2] =	stream.indirect.scatter.add.f32 [tilespmem:s22], [sflag:$0x3], $0x80, s7, s25, $0xb8;
	[tilespmem:$0x19880] =	vst v63  }
0x10d: {  	_ =	swait.ge [sflag:s29], $0x2800  }
0x10e: {  	[sflag:s29] =	ssyncset.done $0x0  }
0x10f: {  	p1 =	sne.s32 s10, $0x1800;
	[sflag:s29] =	ssyncadd.s32 $0xFFFFD800  }
.Ltmp1:
0x110: {  	_ =	swait.ge [sflag:s30], $0x2800;
	(pc) =	sbr.rel @p1 .LBB2_4-.Ltmp1, $4  }
0x111: {  	[sflag:s30] =	ssyncset.done $0x0  }
0x112: {  	[sflag:s30] =	ssyncadd.s32 $0xFFFFD800  }
0x113: {  	[spmem:s2] =	stream.indirect.scatter.add.f32 [tilespmem:s26], [sflag:$0x5], $0x80, s8, s25, $0xb8;
	[tilespmem:$0x19880] =	vst v63  }
0x114: {  	s10 =	sadd.s32 $0x100, s10;
	_ =	swait.ge [sflag:s23], $0x2800  }
0x115: {  	[sflag:s23] =	ssyncset.done $0x0  }
0x116: {  	[sflag:s23] =	ssyncadd.s32 $0xFFFFD800  }
0x117: {  	s10 =	stileid.u32;
	[bflag:$0x0] =	sbarrier.arrive $0xFFFF  }
0x118: {  	s10 =	sshll.u32 s10, $0x6;
	s11 =	rddreg [dreg:$0x9]  }
0x119: {  	s10 =	sor.u32 $0x1C05, s10;
	s12 =	rddreg [dreg:$0x11];
	s11 =	sshrl.u32 s11, $0x3  }
0x11a: {  	[hbm:s12], [sflag:s10] =	dma.local [spmem:s11], $0x500  }
0x11b: {  	_ =	swait.ge [sflag:s23], $0x500  }
0x11c: {  	[sflag:s23] =	ssyncset.done $0x0;
	s12 =	rddreg [dreg:$0xa]  }
0x11d: {  	s9 =	rddreg [dreg:$0x12];
	[sflag:s23] =	ssyncadd.s32 $0xFFFFFB00;
	s11 =	sshrl.u32 s12, $0x3  }
0x11e: {  	[hbm:s9], [sflag:s10] =	dma.local [spmem:s11], $0x500  }
0x11f: {  	_ =	swait.ge [sflag:s23], $0x500  }
0x120: {  	[sflag:s23] =	ssyncset.done $0x0;
	s12 =	rddreg [dreg:$0xb]  }
0x121: {  	s9 =	rddreg [dreg:$0x13];
	[sflag:s23] =	ssyncadd.s32 $0xFFFFFB00;
	s11 =	sshrl.u32 s12, $0x3  }
0x122: {  	[hbm:s9], [sflag:s10] =	dma.local [spmem:s11], $0x500  }
0x123: {  	_ =	swait.ge [sflag:s23], $0x500  }
0x124: {  	[sflag:s23] =	ssyncset.done $0x0;
	s12 =	rddreg [dreg:$0xc]  }
0x125: {  	s9 =	rddreg [dreg:$0x14];
	[sflag:s23] =	ssyncadd.s32 $0xFFFFFB00;
	s11 =	sshrl.u32 s12, $0x3  }
0x126: {  	[hbm:s9], [sflag:s10] =	dma.local [spmem:s11], $0x500  }
0x127: {  	_ =	swait.ge [sflag:s23], $0x500  }
0x128: {  	[sflag:s23] =	ssyncset.done $0x0;
	s12 =	rddreg [dreg:$0xd]  }
0x129: {  	s9 =	rddreg [dreg:$0x15];
	[sflag:s23] =	ssyncadd.s32 $0xFFFFFB00;
	s11 =	sshrl.u32 s12, $0x3  }
0x12a: {  	[hbm:s9], [sflag:s10] =	dma.local [spmem:s11], $0x500  }
0x12b: {  	_ =	swait.ge [sflag:s23], $0x500  }
0x12c: {  	[sflag:s23] =	ssyncset.done $0x0;
	s12 =	rddreg [dreg:$0xe]  }
0x12d: {  	s9 =	rddreg [dreg:$0x16];
	[sflag:s23] =	ssyncadd.s32 $0xFFFFFB00;
	s11 =	sshrl.u32 s12, $0x3  }
0x12e: {  	[hbm:s9], [sflag:s10] =	dma.local [spmem:s11], $0x500  }
0x12f: {  	_ =	swait.ge [sflag:s23], $0x500  }
0x130: {  	[sflag:s23] =	ssyncset.done $0x0;
	s12 =	rddreg [dreg:$0xf]  }
0x131: {  	s9 =	rddreg [dreg:$0x17];
	[sflag:s23] =	ssyncadd.s32 $0xFFFFFB00;
	s11 =	sshrl.u32 s12, $0x3  }
0x132: {  	[hbm:s9], [sflag:s10] =	dma.local [spmem:s11], $0x500  }
0x133: {  	_ =	swait.ge [sflag:s23], $0x500  }
0x134: {  	[sflag:s23] =	ssyncset.done $0x0;
	s12 =	rddreg [dreg:$0x10]  }
0x135: {  	s9 =	rddreg [dreg:$0x18];
	[sflag:s23] =	ssyncadd.s32 $0xFFFFFB00;
	s11 =	sshrl.u32 @!p0 s12, $0x3  }
0x136: {  	[hbm:s9], [sflag:s10] =	dma.local @!p0 [spmem:s11], $0x500  }
0x137: {  	s10 =	simm.s32 @!p0 $0x5  }
0x138: {  	_ =	swait.ge @!p0 [sflag:s10], $0x500  }
0x139: {  	s9 =	rddreg [dreg:$0x1a]  }
0x13a: {  	s11 =	sadd.s32 $0x1, s9;
	s9 =	rddreg [dreg:$0x19]  }
0x13b: {  	p1 =	sne.s32 s11, s9  }
.Ltmp2:
0x13c: {  	_ = 	snop;
	(pc) =	sbr.rel @p1 .LBB2_1-.Ltmp2, $3  }
0x13d: {  	_ =	sdelay $0x1  }
0x13e: {  	[sflag:s10] =	ssyncset.done @!p0 $0x0  }
0x13f: {  	[sflag:s10] =	ssyncadd.s32 @!p0 $0xFFFFFB00  }
0x140: {  	_ =	sfence.sel $0x180000  }
0x141: {  	[bflag:$0x0] =	sbarrier.arrive $0xFFFF  }
0x142: {  	_ =	strace $0x90000047  }
0x143: {  	s0 =	stileid.u32;
	[bflag:$0x2] =	sbarrier.arrive $0xFFFF  }
0x144: {  	p0 =	sne.s32 s0, $0x0;
	s0 =	rddreg [dreg:$0x3]  }
0x145: {  	s0 =	sadd.s32 @!p0 $0x100000, s0  }
0x146: {  	[sflag:s0] =	ssyncadd.tile.s32 @!p0 $0x1;
	_ =	shalt  }
.Lfunc_end2:
_tile_overlayer_lowered:
.L_overlay_start_2:
0x147: {  	(tag) =	ssettag $0x2  }
0x148: {  	s0 =	rddreg [dreg:$0x0];
	s2 =	stileid.u32  }
0x149: {  	s1 =	rddreg [dreg:$0x1];
	p0 =	sne.s32 s2, $0x0  }
0x14a: {  	s3 =	rddreg [dreg:$0x2];
	[bflag:$0x3] =	sbarrier.arrive $0xFFFF;
	s2 =	simm.s32 @!p0 $0x1C05  }
0x14b: {  	[timem:s3], [sflag:s2] =	dma.local @!p0 [hbm:s0], s1  }
0x14c: {  	s0 =	simm.s32 @!p0 $0x5  }
0x14d: {  	_ =	swait.ge @!p0 [sflag:s0], s1  }
0x14e: {  	s1 =	ssub.s32 @!p0 $0x0, s1;
	[sflag:s0] =	ssyncset.done @!p0 $0x0  }
0x14f: {  	[sflag:s0] =	ssyncadd.s32 @!p0 s1  }
0x150: {  	[bflag:$0x3] =	sbarrier.arrive $0xFFFF  }
0x151: {  	_ =	shalt  }

</sc_bundles>
